<compile_context>
chip_gen: v7x
topology: tpu7x:2x2x1
jax: 0.10.2.dev20260603
libtpu: 0.0.44.dev20260713+nightly
codegen_flags: <defaults>
</compile_context>

<pallas_src>
import functools

import jax
import jax.numpy as jnp
from jax import lax
from jax.experimental import pallas as pl
from jax.experimental.pallas import tpu as pltpu
from jax.experimental.pallas import tpu_sc as plsc

_LANES = 128
_CB = 8192
_GRP = 8
_RR = _CB // _GRP


def _project_body(xg, xt, xd, wg, wt, wd, out):
    pT = None
    for x, w in ((xg, wg), (xt, wt), (xd, wd)):
        d = jax.lax.dot_general(w[...], x[...], (((0,), (0,)), ((), ())),
                                preferred_element_type=jnp.float32)
        pT = d if pT is None else pT + d
    out[...] = jnp.concatenate(
        [jnp.transpose(pT[:, jj * _RR:(jj + 1) * _RR], (1, 0))
         for jj in range(_GRP)], axis=1)


def _project(tabTs, ws, V):
    grid = (V + _CB - 1) // _CB
    specs = [pl.BlockSpec((t.shape[0], _CB), lambda i: (0, i)) for t in tabTs]
    specs += [pl.BlockSpec(w.shape, lambda i: (0, 0)) for w in ws]
    return pl.pallas_call(
        _project_body,
        grid=(grid,),
        in_specs=specs,
        out_specs=pl.BlockSpec((_RR, _LANES), lambda i: (i, 0)),
        out_shape=jax.ShapeDtypeStruct((grid * _RR, _LANES), jnp.float32),
    )(*tabTs, *ws)


def _build_sc_gather(B):
    info = plsc.get_sparse_core_info()
    NC, NS = info.num_cores, info.num_subcores
    NW = NC * NS
    bpw = B // NW
    nch = bpw // _LANES
    f32 = jnp.float32
    mesh = plsc.VectorSubcoreMesh(core_axis_name="c", subcore_axis_name="s")

    @functools.partial(
        pl.kernel,
        out_type=tuple(jax.ShapeDtypeStruct((B, _LANES), f32) for _ in range(2)),
        mesh=mesh,
        scratch_types=[pltpu.VMEM((nch, _LANES), jnp.int32) for _ in range(2)]
        + [pltpu.VMEM((_LANES, _LANES), f32) for _ in range(2)]
        + [pltpu.SemaphoreType.DMA, pltpu.SemaphoreType.DMA],
    )
    def sc_gather(s0, s1, t0, t1, o0, o1, v0, v1, b0, b1, gsem, wsem):
        wid = lax.axis_index("s") * NC + lax.axis_index("c")
        base = wid * bpw
        for s, v in ((s0, v0), (s1, v1)):
            pltpu.sync_copy(s.at[pl.ds(wid * nch, nch)], v)
        for j in range(nch):
            gets = [pltpu.async_copy(t.at[v.at[j]], b, gsem)
                    for t, v, b in ((t0, v0, b0), (t1, v1, b1))]
            for g in gets:
                g.wait()
            puts = [pltpu.async_copy(
                b, o.at[pl.ds(base + j * _LANES, _LANES)], wsem)
                for b, o in ((b0, o0), (b1, o1))]
            for p in puts:
                p.wait()

    return sc_gather


def _dense_body(uc, ic, us, vs, b8, wo, out):
    u = uc[...]
    i = ic[...]
    uslab = us[...]
    islab = vs[...]
    pre = b8[...]
    for idx, slab in ((u, uslab), (i, islab)):
        sel = lax.rem(idx, _CB) // _RR
        ext = jnp.zeros_like(slab[:, :8])
        for v in range(_GRP):
            ext = jnp.where(sel == v, slab[:, v * 16:v * 16 + 8], ext)
        pre = pre + ext
    x = jnp.maximum(pre, 0.0)
    out[...] = jnp.sum(x * wo[...], axis=1, keepdims=True)


def _dense(B, uc, ic, uslabs, islabs, b8, wo):
    BLK = 2048
    full = lambda shape: pl.BlockSpec(shape, lambda i: (0, 0))
    return pl.pallas_call(
        _dense_body,
        grid=(B // BLK,),
        in_specs=[pl.BlockSpec((BLK, 1), lambda i: (i, 0))] * 2
        + [pl.BlockSpec((BLK, _LANES), lambda i: (i, 0))] * 2
        + [full((1, 8)), full((1, 8))],
        out_specs=pl.BlockSpec((BLK, 1), lambda i: (i, 0)),
        out_shape=jax.ShapeDtypeStruct((B, 1), jnp.float32),
    )(uc, ic, uslabs, islabs, b8, wo)


def kernel(user, item, user_genres, user_titles, user_dirs,
           item_genres, item_titles, item_dirs,
           W_g, b_g, W_t, b_t, W_d, b_d, W_out, b_out):
    B = user.shape[0]
    d_g, d_t, d_d = (user_genres.shape[1], user_titles.shape[1],
                     user_dirs.shape[1])
    user = user.astype(jnp.int32)
    item = item.astype(jnp.int32)

    def wpad(W, lo, hi, col):
        return jnp.zeros((hi - lo, 16), jnp.float32).at[:, 2 * col:2 * col + 2].set(
            W[:, lo:hi].T)
    wu = (wpad(W_g, 0, d_g, 0), wpad(W_t, 0, d_t, 1), wpad(W_d, 0, d_d, 2))
    wi = (wpad(W_g, d_g, 2 * d_g, 0), wpad(W_t, d_t, 2 * d_t, 1),
          wpad(W_d, d_d, 2 * d_d, 2))

    yu = _project((user_genres.T, user_titles.T, user_dirs.T), wu,
                  user_genres.shape[0])
    yi = _project((item_genres.T, item_titles.T, item_dirs.T), wi,
                  item_genres.shape[0])

    sids = []
    for idx in (user, item):
        sid = (idx // _CB) * _RR + lax.rem(idx, _CB) % _RR
        sids.append(sid.reshape(B // _LANES, _LANES))

    uslabs, islabs = _build_sc_gather(B)(sids[0], sids[1], yu, yi)

    b8 = jnp.concatenate([b_g, b_t, b_d, jnp.ones((1,), jnp.float32),
                          jnp.zeros((1,), jnp.float32)]).reshape(1, 8)
    wo = jnp.concatenate([W_out[0], b_out, jnp.zeros((1,), jnp.float32)]).reshape(1, 8)

    return _dense(B, user.reshape(B, 1), item.reshape(B, 1),
                  uslabs, islabs, b8, wo)

# --- scband reference (transcript-rebuilt; emitter-appended) ---
"""Pipeline reference for scband-embeded-hybrid-net-13967233647574 (READ-ONLY COPY).

The authoritative reference and input builder live on the scoring server;
editing this copy changes nothing except your own understanding.
"""

import jax, jax.numpy as jnp
import numpy as np

NUM_USER = 1000000
NUM_ITEM = 100000
D_G, D_T, D_D = 16, 64, 32
B = 16384


def setup_inputs(seed: int = 0) -> dict:
    key = jax.random.key(seed)
    ks = jax.random.split(key, 16)
    inp = {}
    inp["user"] = jax.random.randint(ks[0], (B,), 0, NUM_USER, dtype=jnp.int64 if jax.config.jax_enable_x64 else jnp.int32)
    inp["item"] = jax.random.randint(ks[1], (B,), 0, NUM_ITEM, dtype=jnp.int64 if jax.config.jax_enable_x64 else jnp.int32)
    # learned user embedding tables (nn.Embedding(num_user, num_feature, sparse=True))
    inp["user_genres"] = jax.random.normal(ks[2], (NUM_USER, D_G), dtype=jnp.float32) * 0.1
    inp["user_titles"] = jax.random.normal(ks[3], (NUM_USER, D_T), dtype=jnp.float32) * 0.1
    inp["user_dirs"] = jax.random.normal(ks[4], (NUM_USER, D_D), dtype=jnp.float32) * 0.1
    # pretrained item feature tables (FeatureGenerator lookup tables)
    inp["item_genres"] = jax.random.normal(ks[5], (NUM_ITEM, D_G), dtype=jnp.float32) * 0.1
    inp["item_titles"] = jax.random.normal(ks[6], (NUM_ITEM, D_T), dtype=jnp.float32) * 0.1
    inp["item_dirs"] = jax.random.normal(ks[7], (NUM_ITEM, D_D), dtype=jnp.float32) * 0.1
    # dense heads
    inp["W_g"] = jax.random.normal(ks[8], (2, 2 * D_G), dtype=jnp.float32) * 0.05
    inp["b_g"] = jnp.zeros((2,), dtype=jnp.float32)
    inp["W_t"] = jax.random.normal(ks[9], (2, 2 * D_T), dtype=jnp.float32) * 0.05
    inp["b_t"] = jnp.zeros((2,), dtype=jnp.float32)
    inp["W_d"] = jax.random.normal(ks[10], (2, 2 * D_D), dtype=jnp.float32) * 0.05
    inp["b_d"] = jnp.zeros((2,), dtype=jnp.float32)
    inp["W_out"] = jax.random.normal(ks[11], (1, 6), dtype=jnp.float32) * 0.05
    inp["b_out"] = jnp.zeros((1,), dtype=jnp.float32)
    return inp


def reference(user, item, user_genres, user_titles, user_dirs, item_genres, item_titles, item_dirs, W_g, b_g, W_t, b_t, W_d, b_d, W_out, b_out):
    # embedding lookups (gather rows)
    ug = jnp.take(user_genres, user, axis=0)
    ig = jnp.take(item_genres, item, axis=0)
    g = jnp.concatenate([ug, ig], axis=1) @ W_g.T + b_g

    ut = jnp.take(user_titles, user, axis=0)
    it = jnp.take(item_titles, item, axis=0)
    t = jnp.concatenate([ut, it], axis=1) @ W_t.T + b_t

    ud = jnp.take(user_dirs, user, axis=0)
    idf = jnp.take(item_dirs, item, axis=0)
    d = jnp.concatenate([ud, idf], axis=1) @ W_d.T + b_d

    x = jax.nn.relu(jnp.concatenate([g, t, d], axis=1))
    return x @ W_out.T + b_out

if __name__ == "__main__":
    import jax
    _d = setup_inputs()
    print(jax.jit(kernel)(*tuple(_d.values())))

</pallas_src>

<mosaic_0001>
#map = affine_map<(d0, d1) -> (0, 0)>
module attributes {stable_mosaic.version = 14 : i64} {
  func.func @sc_gather(%arg0: i32, %arg1: i32, %arg2: memref<128x128xi32, #tpu.memory_space<hbm>>, %arg3: memref<128x128xi32, #tpu.memory_space<hbm>>, %arg4: memref<125952x128xf32, #tpu.memory_space<hbm>>, %arg5: memref<13312x128xf32, #tpu.memory_space<hbm>>, %arg6: memref<16384x128xf32, #tpu.memory_space<hbm>>, %arg7: memref<16384x128xf32, #tpu.memory_space<hbm>>, %arg8: memref<4x128xi32, #tpu.memory_space<vmem>>, %arg9: memref<4x128xi32, #tpu.memory_space<vmem>>, %arg10: memref<128x128xf32, #tpu.memory_space<vmem>>, %arg11: memref<128x128xf32, #tpu.memory_space<vmem>>, %arg12: memref<!tpu.dma_semaphore, #tpu.memory_space<semaphore_mem>>, %arg13: memref<!tpu.dma_semaphore, #tpu.memory_space<semaphore_mem>>) attributes {dimension_semantics = [#tpu.dimension_semantics<core_parallel>, #tpu.dimension_semantics<subcore_parallel>], iteration_bounds = array<i64: 2, 16>, scalar_prefetch = 0 : i64, scratch_operands = 6 : i64, tpu.core_type = #tpu.core_type<sc_vector_subcore>, window_params = [{transform_indices = #map}, {transform_indices = #map}, {transform_indices = #map}, {transform_indices = #map}, {transform_indices = #map}, {transform_indices = #map}]} {
    %mul3A = arith.constant 2 : i32
    %mul3A_0 = arith.muli %arg1, %mul3A : i32
    %add3A = arith.addi %mul3A_0, %arg0 : i32
    %mul3A_1 = arith.constant 512 : i32
    %mul3A_2 = arith.muli %add3A, %mul3A_1 : i32
    %mul3A_3 = arith.constant 4 : i32
    %mul3A_4 = arith.muli %add3A, %mul3A_3 : i32
    "tpu.region"() ({
      %run_scoped3A = tpu.sem_alloc : memref<!tpu.dma_semaphore, #tpu.memory_space<semaphore_mem>>
      %dma_start3A_197 = arith.constant 0 : i32
      %dma_start3A_198 = tpu.memref_slice %arg2[%mul3A_4, %dma_start3A_197] : memref<128x128xi32, #tpu.memory_space<hbm>> -> memref<4x128xi32, #tpu.memory_space<hbm>>
      %dma_start3A_199 = arith.constant 0 : i32
      %dma_start3A_200 = tpu.memref_slice %arg2[%mul3A_4, %dma_start3A_199] : memref<128x128xi32, #tpu.memory_space<hbm>> -> memref<4x128xi32, #tpu.memory_space<hbm>>
      tpu.enqueue_dma source(%dma_start3A_200 : memref<4x128xi32, #tpu.memory_space<hbm>>) target(%arg8 : memref<4x128xi32, #tpu.memory_space<vmem>>) target_semaphore(%run_scoped3A : memref<!tpu.dma_semaphore, #tpu.memory_space<semaphore_mem>>)
      %dma_wait3A_201 = arith.constant 0 : i32
      %dma_wait3A_202 = tpu.memref_slice %arg2[%mul3A_4, %dma_wait3A_201] : memref<128x128xi32, #tpu.memory_space<hbm>> -> memref<4x128xi32, #tpu.memory_space<hbm>>
      %dma_wait3A_203 = arith.constant 0 : i32
      %dma_wait3A_204 = tpu.memref_slice %arg2[%mul3A_4, %dma_wait3A_203] : memref<128x128xi32, #tpu.memory_space<hbm>> -> memref<4x128xi32, #tpu.memory_space<hbm>>
      tpu.wait_dma2 semaphore(%run_scoped3A : memref<!tpu.dma_semaphore, #tpu.memory_space<semaphore_mem>>) src(%dma_wait3A_204 : memref<4x128xi32, #tpu.memory_space<hbm>>) dst(%arg8 : memref<4x128xi32, #tpu.memory_space<vmem>>)
      tpu.yield
    }) : () -> ()
    %mul3A_5 = arith.constant 4 : i32
    %mul3A_6 = arith.muli %add3A, %mul3A_5 : i32
    "tpu.region"() ({
      %run_scoped3A = tpu.sem_alloc : memref<!tpu.dma_semaphore, #tpu.memory_space<semaphore_mem>>
      %dma_start3A_197 = arith.constant 0 : i32
      %dma_start3A_198 = tpu.memref_slice %arg3[%mul3A_6, %dma_start3A_197] : memref<128x128xi32, #tpu.memory_space<hbm>> -> memref<4x128xi32, #tpu.memory_space<hbm>>
      %dma_start3A_199 = arith.constant 0 : i32
      %dma_start3A_200 = tpu.memref_slice %arg3[%mul3A_6, %dma_start3A_199] : memref<128x128xi32, #tpu.memory_space<hbm>> -> memref<4x128xi32, #tpu.memory_space<hbm>>
      tpu.enqueue_dma source(%dma_start3A_200 : memref<4x128xi32, #tpu.memory_space<hbm>>) target(%arg9 : memref<4x128xi32, #tpu.memory_space<vmem>>) target_semaphore(%run_scoped3A : memref<!tpu.dma_semaphore, #tpu.memory_space<semaphore_mem>>)
      %dma_wait3A_201 = arith.constant 0 : i32
      %dma_wait3A_202 = tpu.memref_slice %arg3[%mul3A_6, %dma_wait3A_201] : memref<128x128xi32, #tpu.memory_space<hbm>> -> memref<4x128xi32, #tpu.memory_space<hbm>>
      %dma_wait3A_203 = arith.constant 0 : i32
      %dma_wait3A_204 = tpu.memref_slice %arg3[%mul3A_6, %dma_wait3A_203] : memref<128x128xi32, #tpu.memory_space<hbm>> -> memref<4x128xi32, #tpu.memory_space<hbm>>
      tpu.wait_dma2 semaphore(%run_scoped3A : memref<!tpu.dma_semaphore, #tpu.memory_space<semaphore_mem>>) src(%dma_wait3A_204 : memref<4x128xi32, #tpu.memory_space<hbm>>) dst(%arg9 : memref<4x128xi32, #tpu.memory_space<vmem>>)
      tpu.yield
    }) : () -> ()
    %dma_start3A = arith.constant 0 : i32
    %dma_start3A_7 = arith.constant 0 : i32
    %dma_start3A_8 = tpu.memref_slice %arg8[%dma_start3A, %dma_start3A_7] : memref<4x128xi32, #tpu.memory_space<vmem>> -> memref<1x128xi32, #tpu.memory_space<vmem>>
    %dma_start3A_9 = tpu.memref_squeeze %dma_start3A_8 : memref<1x128xi32, #tpu.memory_space<vmem>> -> memref<128xi32, #tpu.memory_space<vmem>>
    %dma_start3A_10 = arith.constant 0 : i32
    %dma_start3A_11 = arith.constant 0 : i32
    %dma_start3A_12 = tpu.memref_slice %arg4[%dma_start3A_10, %dma_start3A_11] : memref<125952x128xf32, #tpu.memory_space<hbm>> -> memref<125952x128xf32, #tpu.memory_space<hbm>>
    tpu.enqueue_indirect_dma source(%dma_start3A_12 : memref<125952x128xf32, #tpu.memory_space<hbm>>) target(%arg10 : memref<128x128xf32, #tpu.memory_space<vmem>>) offsets(%dma_start3A_9 : memref<128xi32, #tpu.memory_space<vmem>>) semaphore(%arg12 : memref<!tpu.dma_semaphore, #tpu.memory_space<semaphore_mem>>)
    %dma_start3A_13 = arith.constant 0 : i32
    %dma_start3A_14 = arith.constant 0 : i32
    %dma_start3A_15 = tpu.memref_slice %arg9[%dma_start3A_13, %dma_start3A_14] : memref<4x128xi32, #tpu.memory_space<vmem>> -> memref<1x128xi32, #tpu.memory_space<vmem>>
    %dma_start3A_16 = tpu.memref_squeeze %dma_start3A_15 : memref<1x128xi32, #tpu.memory_space<vmem>> -> memref<128xi32, #tpu.memory_space<vmem>>
    %dma_start3A_17 = arith.constant 0 : i32
    %dma_start3A_18 = arith.constant 0 : i32
    %dma_start3A_19 = tpu.memref_slice %arg5[%dma_start3A_17, %dma_start3A_18] : memref<13312x128xf32, #tpu.memory_space<hbm>> -> memref<13312x128xf32, #tpu.memory_space<hbm>>
    tpu.enqueue_indirect_dma source(%dma_start3A_19 : memref<13312x128xf32, #tpu.memory_space<hbm>>) target(%arg11 : memref<128x128xf32, #tpu.memory_space<vmem>>) offsets(%dma_start3A_16 : memref<128xi32, #tpu.memory_space<vmem>>) semaphore(%arg12 : memref<!tpu.dma_semaphore, #tpu.memory_space<semaphore_mem>>)
    %dma_wait3A = arith.constant 0 : i32
    %dma_wait3A_20 = arith.constant 0 : i32
    %dma_wait3A_21 = tpu.memref_slice %arg8[%dma_wait3A, %dma_wait3A_20] : memref<4x128xi32, #tpu.memory_space<vmem>> -> memref<1x128xi32, #tpu.memory_space<vmem>>
    %dma_wait3A_22 = tpu.memref_squeeze %dma_wait3A_21 : memref<1x128xi32, #tpu.memory_space<vmem>> -> memref<128xi32, #tpu.memory_space<vmem>>
    %dma_wait3A_23 = arith.constant 0 : i32
    %dma_wait3A_24 = arith.constant 0 : i32
    %dma_wait3A_25 = tpu.memref_slice %arg4[%dma_wait3A_23, %dma_wait3A_24] : memref<125952x128xf32, #tpu.memory_space<hbm>> -> memref<125952x128xf32, #tpu.memory_space<hbm>>
    tpu.wait_indirect_dma semaphore(%arg12 : memref<!tpu.dma_semaphore, #tpu.memory_space<semaphore_mem>>) src(%dma_wait3A_25 : memref<125952x128xf32, #tpu.memory_space<hbm>>) dst(%arg10 : memref<128x128xf32, #tpu.memory_space<vmem>>)
    %dma_wait3A_26 = arith.constant 0 : i32
    %dma_wait3A_27 = arith.constant 0 : i32
    %dma_wait3A_28 = tpu.memref_slice %arg9[%dma_wait3A_26, %dma_wait3A_27] : memref<4x128xi32, #tpu.memory_space<vmem>> -> memref<1x128xi32, #tpu.memory_space<vmem>>
    %dma_wait3A_29 = tpu.memref_squeeze %dma_wait3A_28 : memref<1x128xi32, #tpu.memory_space<vmem>> -> memref<128xi32, #tpu.memory_space<vmem>>
    %dma_wait3A_30 = arith.constant 0 : i32
    %dma_wait3A_31 = arith.constant 0 : i32
    %dma_wait3A_32 = tpu.memref_slice %arg5[%dma_wait3A_30, %dma_wait3A_31] : memref<13312x128xf32, #tpu.memory_space<hbm>> -> memref<13312x128xf32, #tpu.memory_space<hbm>>
    tpu.wait_indirect_dma semaphore(%arg12 : memref<!tpu.dma_semaphore, #tpu.memory_space<semaphore_mem>>) src(%dma_wait3A_32 : memref<13312x128xf32, #tpu.memory_space<hbm>>) dst(%arg11 : memref<128x128xf32, #tpu.memory_space<vmem>>)
    %add3A_33 = arith.constant 0 : i32
    %add3A_34 = arith.addi %mul3A_2, %add3A_33 : i32
    %dma_start3A_35 = arith.constant 0 : i32
    %dma_start3A_36 = tpu.memref_slice %arg6[%add3A_34, %dma_start3A_35] : memref<16384x128xf32, #tpu.memory_space<hbm>> -> memref<128x128xf32, #tpu.memory_space<hbm>>
    %dma_start3A_37 = arith.constant 0 : i32
    %dma_start3A_38 = tpu.memref_slice %arg6[%add3A_34, %dma_start3A_37] : memref<16384x128xf32, #tpu.memory_space<hbm>> -> memref<128x128xf32, #tpu.memory_space<hbm>>
    tpu.enqueue_dma source(%arg10 : memref<128x128xf32, #tpu.memory_space<vmem>>) target(%dma_start3A_38 : memref<128x128xf32, #tpu.memory_space<hbm>>) target_semaphore(%arg13 : memref<!tpu.dma_semaphore, #tpu.memory_space<semaphore_mem>>)
    %add3A_39 = arith.constant 0 : i32
    %add3A_40 = arith.addi %mul3A_2, %add3A_39 : i32
    %dma_start3A_41 = arith.constant 0 : i32
    %dma_start3A_42 = tpu.memref_slice %arg7[%add3A_40, %dma_start3A_41] : memref<16384x128xf32, #tpu.memory_space<hbm>> -> memref<128x128xf32, #tpu.memory_space<hbm>>
    %dma_start3A_43 = arith.constant 0 : i32
    %dma_start3A_44 = tpu.memref_slice %arg7[%add3A_40, %dma_start3A_43] : memref<16384x128xf32, #tpu.memory_space<hbm>> -> memref<128x128xf32, #tpu.memory_space<hbm>>
    tpu.enqueue_dma source(%arg11 : memref<128x128xf32, #tpu.memory_space<vmem>>) target(%dma_start3A_44 : memref<128x128xf32, #tpu.memory_space<hbm>>) target_semaphore(%arg13 : memref<!tpu.dma_semaphore, #tpu.memory_space<semaphore_mem>>)
    %dma_wait3A_45 = arith.constant 0 : i32
    %dma_wait3A_46 = tpu.memref_slice %arg6[%add3A_34, %dma_wait3A_45] : memref<16384x128xf32, #tpu.memory_space<hbm>> -> memref<128x128xf32, #tpu.memory_space<hbm>>
    %dma_wait3A_47 = arith.constant 0 : i32
    %dma_wait3A_48 = tpu.memref_slice %arg6[%add3A_34, %dma_wait3A_47] : memref<16384x128xf32, #tpu.memory_space<hbm>> -> memref<128x128xf32, #tpu.memory_space<hbm>>
    tpu.wait_dma2 semaphore(%arg13 : memref<!tpu.dma_semaphore, #tpu.memory_space<semaphore_mem>>) src(%arg10 : memref<128x128xf32, #tpu.memory_space<vmem>>) dst(%dma_wait3A_48 : memref<128x128xf32, #tpu.memory_space<hbm>>)
    %dma_wait3A_49 = arith.constant 0 : i32
    %dma_wait3A_50 = tpu.memref_slice %arg7[%add3A_40, %dma_wait3A_49] : memref<16384x128xf32, #tpu.memory_space<hbm>> -> memref<128x128xf32, #tpu.memory_space<hbm>>
    %dma_wait3A_51 = arith.constant 0 : i32
    %dma_wait3A_52 = tpu.memref_slice %arg7[%add3A_40, %dma_wait3A_51] : memref<16384x128xf32, #tpu.memory_space<hbm>> -> memref<128x128xf32, #tpu.memory_space<hbm>>
    tpu.wait_dma2 semaphore(%arg13 : memref<!tpu.dma_semaphore, #tpu.memory_space<semaphore_mem>>) src(%arg11 : memref<128x128xf32, #tpu.memory_space<vmem>>) dst(%dma_wait3A_52 : memref<128x128xf32, #tpu.memory_space<hbm>>)
    %dma_start3A_53 = arith.constant 1 : i32
    %dma_start3A_54 = arith.constant 0 : i32
    %dma_start3A_55 = tpu.memref_slice %arg8[%dma_start3A_53, %dma_start3A_54] : memref<4x128xi32, #tpu.memory_space<vmem>> -> memref<1x128xi32, #tpu.memory_space<vmem>>
    %dma_start3A_56 = tpu.memref_squeeze %dma_start3A_55 : memref<1x128xi32, #tpu.memory_space<vmem>> -> memref<128xi32, #tpu.memory_space<vmem>>
    %dma_start3A_57 = arith.constant 0 : i32
    %dma_start3A_58 = arith.constant 0 : i32
    %dma_start3A_59 = tpu.memref_slice %arg4[%dma_start3A_57, %dma_start3A_58] : memref<125952x128xf32, #tpu.memory_space<hbm>> -> memref<125952x128xf32, #tpu.memory_space<hbm>>
    tpu.enqueue_indirect_dma source(%dma_start3A_59 : memref<125952x128xf32, #tpu.memory_space<hbm>>) target(%arg10 : memref<128x128xf32, #tpu.memory_space<vmem>>) offsets(%dma_start3A_56 : memref<128xi32, #tpu.memory_space<vmem>>) semaphore(%arg12 : memref<!tpu.dma_semaphore, #tpu.memory_space<semaphore_mem>>)
    %dma_start3A_60 = arith.constant 1 : i32
    %dma_start3A_61 = arith.constant 0 : i32
    %dma_start3A_62 = tpu.memref_slice %arg9[%dma_start3A_60, %dma_start3A_61] : memref<4x128xi32, #tpu.memory_space<vmem>> -> memref<1x128xi32, #tpu.memory_space<vmem>>
    %dma_start3A_63 = tpu.memref_squeeze %dma_start3A_62 : memref<1x128xi32, #tpu.memory_space<vmem>> -> memref<128xi32, #tpu.memory_space<vmem>>
    %dma_start3A_64 = arith.constant 0 : i32
    %dma_start3A_65 = arith.constant 0 : i32
    %dma_start3A_66 = tpu.memref_slice %arg5[%dma_start3A_64, %dma_start3A_65] : memref<13312x128xf32, #tpu.memory_space<hbm>> -> memref<13312x128xf32, #tpu.memory_space<hbm>>
    tpu.enqueue_indirect_dma source(%dma_start3A_66 : memref<13312x128xf32, #tpu.memory_space<hbm>>) target(%arg11 : memref<128x128xf32, #tpu.memory_space<vmem>>) offsets(%dma_start3A_63 : memref<128xi32, #tpu.memory_space<vmem>>) semaphore(%arg12 : memref<!tpu.dma_semaphore, #tpu.memory_space<semaphore_mem>>)
    %dma_wait3A_67 = arith.constant 1 : i32
    %dma_wait3A_68 = arith.constant 0 : i32
    %dma_wait3A_69 = tpu.memref_slice %arg8[%dma_wait3A_67, %dma_wait3A_68] : memref<4x128xi32, #tpu.memory_space<vmem>> -> memref<1x128xi32, #tpu.memory_space<vmem>>
    %dma_wait3A_70 = tpu.memref_squeeze %dma_wait3A_69 : memref<1x128xi32, #tpu.memory_space<vmem>> -> memref<128xi32, #tpu.memory_space<vmem>>
    %dma_wait3A_71 = arith.constant 0 : i32
    %dma_wait3A_72 = arith.constant 0 : i32
    %dma_wait3A_73 = tpu.memref_slice %arg4[%dma_wait3A_71, %dma_wait3A_72] : memref<125952x128xf32, #tpu.memory_space<hbm>> -> memref<125952x128xf32, #tpu.memory_space<hbm>>
    tpu.wait_indirect_dma semaphore(%arg12 : memref<!tpu.dma_semaphore, #tpu.memory_space<semaphore_mem>>) src(%dma_wait3A_73 : memref<125952x128xf32, #tpu.memory_space<hbm>>) dst(%arg10 : memref<128x128xf32, #tpu.memory_space<vmem>>)
    %dma_wait3A_74 = arith.constant 1 : i32
    %dma_wait3A_75 = arith.constant 0 : i32
    %dma_wait3A_76 = tpu.memref_slice %arg9[%dma_wait3A_74, %dma_wait3A_75] : memref<4x128xi32, #tpu.memory_space<vmem>> -> memref<1x128xi32, #tpu.memory_space<vmem>>
    %dma_wait3A_77 = tpu.memref_squeeze %dma_wait3A_76 : memref<1x128xi32, #tpu.memory_space<vmem>> -> memref<128xi32, #tpu.memory_space<vmem>>
    %dma_wait3A_78 = arith.constant 0 : i32
    %dma_wait3A_79 = arith.constant 0 : i32
    %dma_wait3A_80 = tpu.memref_slice %arg5[%dma_wait3A_78, %dma_wait3A_79] : memref<13312x128xf32, #tpu.memory_space<hbm>> -> memref<13312x128xf32, #tpu.memory_space<hbm>>
    tpu.wait_indirect_dma semaphore(%arg12 : memref<!tpu.dma_semaphore, #tpu.memory_space<semaphore_mem>>) src(%dma_wait3A_80 : memref<13312x128xf32, #tpu.memory_space<hbm>>) dst(%arg11 : memref<128x128xf32, #tpu.memory_space<vmem>>)
    %add3A_81 = arith.constant 128 : i32
    %add3A_82 = arith.addi %mul3A_2, %add3A_81 : i32
    %dma_start3A_83 = arith.constant 0 : i32
    %dma_start3A_84 = tpu.memref_slice %arg6[%add3A_82, %dma_start3A_83] : memref<16384x128xf32, #tpu.memory_space<hbm>> -> memref<128x128xf32, #tpu.memory_space<hbm>>
    %dma_start3A_85 = arith.constant 0 : i32
    %dma_start3A_86 = tpu.memref_slice %arg6[%add3A_82, %dma_start3A_85] : memref<16384x128xf32, #tpu.memory_space<hbm>> -> memref<128x128xf32, #tpu.memory_space<hbm>>
    tpu.enqueue_dma source(%arg10 : memref<128x128xf32, #tpu.memory_space<vmem>>) target(%dma_start3A_86 : memref<128x128xf32, #tpu.memory_space<hbm>>) target_semaphore(%arg13 : memref<!tpu.dma_semaphore, #tpu.memory_space<semaphore_mem>>)
    %add3A_87 = arith.constant 128 : i32
    %add3A_88 = arith.addi %mul3A_2, %add3A_87 : i32
    %dma_start3A_89 = arith.constant 0 : i32
    %dma_start3A_90 = tpu.memref_slice %arg7[%add3A_88, %dma_start3A_89] : memref<16384x128xf32, #tpu.memory_space<hbm>> -> memref<128x128xf32, #tpu.memory_space<hbm>>
    %dma_start3A_91 = arith.constant 0 : i32
    %dma_start3A_92 = tpu.memref_slice %arg7[%add3A_88, %dma_start3A_91] : memref<16384x128xf32, #tpu.memory_space<hbm>> -> memref<128x128xf32, #tpu.memory_space<hbm>>
    tpu.enqueue_dma source(%arg11 : memref<128x128xf32, #tpu.memory_space<vmem>>) target(%dma_start3A_92 : memref<128x128xf32, #tpu.memory_space<hbm>>) target_semaphore(%arg13 : memref<!tpu.dma_semaphore, #tpu.memory_space<semaphore_mem>>)
    %dma_wait3A_93 = arith.constant 0 : i32
    %dma_wait3A_94 = tpu.memref_slice %arg6[%add3A_82, %dma_wait3A_93] : memref<16384x128xf32, #tpu.memory_space<hbm>> -> memref<128x128xf32, #tpu.memory_space<hbm>>
    %dma_wait3A_95 = arith.constant 0 : i32
    %dma_wait3A_96 = tpu.memref_slice %arg6[%add3A_82, %dma_wait3A_95] : memref<16384x128xf32, #tpu.memory_space<hbm>> -> memref<128x128xf32, #tpu.memory_space<hbm>>
    tpu.wait_dma2 semaphore(%arg13 : memref<!tpu.dma_semaphore, #tpu.memory_space<semaphore_mem>>) src(%arg10 : memref<128x128xf32, #tpu.memory_space<vmem>>) dst(%dma_wait3A_96 : memref<128x128xf32, #tpu.memory_space<hbm>>)
    %dma_wait3A_97 = arith.constant 0 : i32
    %dma_wait3A_98 = tpu.memref_slice %arg7[%add3A_88, %dma_wait3A_97] : memref<16384x128xf32, #tpu.memory_space<hbm>> -> memref<128x128xf32, #tpu.memory_space<hbm>>
    %dma_wait3A_99 = arith.constant 0 : i32
    %dma_wait3A_100 = tpu.memref_slice %arg7[%add3A_88, %dma_wait3A_99] : memref<16384x128xf32, #tpu.memory_space<hbm>> -> memref<128x128xf32, #tpu.memory_space<hbm>>
    tpu.wait_dma2 semaphore(%arg13 : memref<!tpu.dma_semaphore, #tpu.memory_space<semaphore_mem>>) src(%arg11 : memref<128x128xf32, #tpu.memory_space<vmem>>) dst(%dma_wait3A_100 : memref<128x128xf32, #tpu.memory_space<hbm>>)
    %dma_start3A_101 = arith.constant 2 : i32
    %dma_start3A_102 = arith.constant 0 : i32
    %dma_start3A_103 = tpu.memref_slice %arg8[%dma_start3A_101, %dma_start3A_102] : memref<4x128xi32, #tpu.memory_space<vmem>> -> memref<1x128xi32, #tpu.memory_space<vmem>>
    %dma_start3A_104 = tpu.memref_squeeze %dma_start3A_103 : memref<1x128xi32, #tpu.memory_space<vmem>> -> memref<128xi32, #tpu.memory_space<vmem>>
    %dma_start3A_105 = arith.constant 0 : i32
    %dma_start3A_106 = arith.constant 0 : i32
    %dma_start3A_107 = tpu.memref_slice %arg4[%dma_start3A_105, %dma_start3A_106] : memref<125952x128xf32, #tpu.memory_space<hbm>> -> memref<125952x128xf32, #tpu.memory_space<hbm>>
    tpu.enqueue_indirect_dma source(%dma_start3A_107 : memref<125952x128xf32, #tpu.memory_space<hbm>>) target(%arg10 : memref<128x128xf32, #tpu.memory_space<vmem>>) offsets(%dma_start3A_104 : memref<128xi32, #tpu.memory_space<vmem>>) semaphore(%arg12 : memref<!tpu.dma_semaphore, #tpu.memory_space<semaphore_mem>>)
    %dma_start3A_108 = arith.constant 2 : i32
    %dma_start3A_109 = arith.constant 0 : i32
    %dma_start3A_110 = tpu.memref_slice %arg9[%dma_start3A_108, %dma_start3A_109] : memref<4x128xi32, #tpu.memory_space<vmem>> -> memref<1x128xi32, #tpu.memory_space<vmem>>
    %dma_start3A_111 = tpu.memref_squeeze %dma_start3A_110 : memref<1x128xi32, #tpu.memory_space<vmem>> -> memref<128xi32, #tpu.memory_space<vmem>>
    %dma_start3A_112 = arith.constant 0 : i32
    %dma_start3A_113 = arith.constant 0 : i32
    %dma_start3A_114 = tpu.memref_slice %arg5[%dma_start3A_112, %dma_start3A_113] : memref<13312x128xf32, #tpu.memory_space<hbm>> -> memref<13312x128xf32, #tpu.memory_space<hbm>>
    tpu.enqueue_indirect_dma source(%dma_start3A_114 : memref<13312x128xf32, #tpu.memory_space<hbm>>) target(%arg11 : memref<128x128xf32, #tpu.memory_space<vmem>>) offsets(%dma_start3A_111 : memref<128xi32, #tpu.memory_space<vmem>>) semaphore(%arg12 : memref<!tpu.dma_semaphore, #tpu.memory_space<semaphore_mem>>)
    %dma_wait3A_115 = arith.constant 2 : i32
    %dma_wait3A_116 = arith.constant 0 : i32
    %dma_wait3A_117 = tpu.memref_slice %arg8[%dma_wait3A_115, %dma_wait3A_116] : memref<4x128xi32, #tpu.memory_space<vmem>> -> memref<1x128xi32, #tpu.memory_space<vmem>>
    %dma_wait3A_118 = tpu.memref_squeeze %dma_wait3A_117 : memref<1x128xi32, #tpu.memory_space<vmem>> -> memref<128xi32, #tpu.memory_space<vmem>>
    %dma_wait3A_119 = arith.constant 0 : i32
    %dma_wait3A_120 = arith.constant 0 : i32
    %dma_wait3A_121 = tpu.memref_slice %arg4[%dma_wait3A_119, %dma_wait3A_120] : memref<125952x128xf32, #tpu.memory_space<hbm>> -> memref<125952x128xf32, #tpu.memory_space<hbm>>
    tpu.wait_indirect_dma semaphore(%arg12 : memref<!tpu.dma_semaphore, #tpu.memory_space<semaphore_mem>>) src(%dma_wait3A_121 : memref<125952x128xf32, #tpu.memory_space<hbm>>) dst(%arg10 : memref<128x128xf32, #tpu.memory_space<vmem>>)
    %dma_wait3A_122 = arith.constant 2 : i32
    %dma_wait3A_123 = arith.constant 0 : i32
    %dma_wait3A_124 = tpu.memref_slice %arg9[%dma_wait3A_122, %dma_wait3A_123] : memref<4x128xi32, #tpu.memory_space<vmem>> -> memref<1x128xi32, #tpu.memory_space<vmem>>
    %dma_wait3A_125 = tpu.memref_squeeze %dma_wait3A_124 : memref<1x128xi32, #tpu.memory_space<vmem>> -> memref<128xi32, #tpu.memory_space<vmem>>
    %dma_wait3A_126 = arith.constant 0 : i32
    %dma_wait3A_127 = arith.constant 0 : i32
    %dma_wait3A_128 = tpu.memref_slice %arg5[%dma_wait3A_126, %dma_wait3A_127] : memref<13312x128xf32, #tpu.memory_space<hbm>> -> memref<13312x128xf32, #tpu.memory_space<hbm>>
    tpu.wait_indirect_dma semaphore(%arg12 : memref<!tpu.dma_semaphore, #tpu.memory_space<semaphore_mem>>) src(%dma_wait3A_128 : memref<13312x128xf32, #tpu.memory_space<hbm>>) dst(%arg11 : memref<128x128xf32, #tpu.memory_space<vmem>>)
    %add3A_129 = arith.constant 256 : i32
    %add3A_130 = arith.addi %mul3A_2, %add3A_129 : i32
    %dma_start3A_131 = arith.constant 0 : i32
    %dma_start3A_132 = tpu.memref_slice %arg6[%add3A_130, %dma_start3A_131] : memref<16384x128xf32, #tpu.memory_space<hbm>> -> memref<128x128xf32, #tpu.memory_space<hbm>>
    %dma_start3A_133 = arith.constant 0 : i32
    %dma_start3A_134 = tpu.memref_slice %arg6[%add3A_130, %dma_start3A_133] : memref<16384x128xf32, #tpu.memory_space<hbm>> -> memref<128x128xf32, #tpu.memory_space<hbm>>
    tpu.enqueue_dma source(%arg10 : memref<128x128xf32, #tpu.memory_space<vmem>>) target(%dma_start3A_134 : memref<128x128xf32, #tpu.memory_space<hbm>>) target_semaphore(%arg13 : memref<!tpu.dma_semaphore, #tpu.memory_space<semaphore_mem>>)
    %add3A_135 = arith.constant 256 : i32
    %add3A_136 = arith.addi %mul3A_2, %add3A_135 : i32
    %dma_start3A_137 = arith.constant 0 : i32
    %dma_start3A_138 = tpu.memref_slice %arg7[%add3A_136, %dma_start3A_137] : memref<16384x128xf32, #tpu.memory_space<hbm>> -> memref<128x128xf32, #tpu.memory_space<hbm>>
    %dma_start3A_139 = arith.constant 0 : i32
    %dma_start3A_140 = tpu.memref_slice %arg7[%add3A_136, %dma_start3A_139] : memref<16384x128xf32, #tpu.memory_space<hbm>> -> memref<128x128xf32, #tpu.memory_space<hbm>>
    tpu.enqueue_dma source(%arg11 : memref<128x128xf32, #tpu.memory_space<vmem>>) target(%dma_start3A_140 : memref<128x128xf32, #tpu.memory_space<hbm>>) target_semaphore(%arg13 : memref<!tpu.dma_semaphore, #tpu.memory_space<semaphore_mem>>)
    %dma_wait3A_141 = arith.constant 0 : i32
    %dma_wait3A_142 = tpu.memref_slice %arg6[%add3A_130, %dma_wait3A_141] : memref<16384x128xf32, #tpu.memory_space<hbm>> -> memref<128x128xf32, #tpu.memory_space<hbm>>
    %dma_wait3A_143 = arith.constant 0 : i32
    %dma_wait3A_144 = tpu.memref_slice %arg6[%add3A_130, %dma_wait3A_143] : memref<16384x128xf32, #tpu.memory_space<hbm>> -> memref<128x128xf32, #tpu.memory_space<hbm>>
    tpu.wait_dma2 semaphore(%arg13 : memref<!tpu.dma_semaphore, #tpu.memory_space<semaphore_mem>>) src(%arg10 : memref<128x128xf32, #tpu.memory_space<vmem>>) dst(%dma_wait3A_144 : memref<128x128xf32, #tpu.memory_space<hbm>>)
    %dma_wait3A_145 = arith.constant 0 : i32
    %dma_wait3A_146 = tpu.memref_slice %arg7[%add3A_136, %dma_wait3A_145] : memref<16384x128xf32, #tpu.memory_space<hbm>> -> memref<128x128xf32, #tpu.memory_space<hbm>>
    %dma_wait3A_147 = arith.constant 0 : i32
    %dma_wait3A_148 = tpu.memref_slice %arg7[%add3A_136, %dma_wait3A_147] : memref<16384x128xf32, #tpu.memory_space<hbm>> -> memref<128x128xf32, #tpu.memory_space<hbm>>
    tpu.wait_dma2 semaphore(%arg13 : memref<!tpu.dma_semaphore, #tpu.memory_space<semaphore_mem>>) src(%arg11 : memref<128x128xf32, #tpu.memory_space<vmem>>) dst(%dma_wait3A_148 : memref<128x128xf32, #tpu.memory_space<hbm>>)
    %dma_start3A_149 = arith.constant 3 : i32
    %dma_start3A_150 = arith.constant 0 : i32
    %dma_start3A_151 = tpu.memref_slice %arg8[%dma_start3A_149, %dma_start3A_150] : memref<4x128xi32, #tpu.memory_space<vmem>> -> memref<1x128xi32, #tpu.memory_space<vmem>>
    %dma_start3A_152 = tpu.memref_squeeze %dma_start3A_151 : memref<1x128xi32, #tpu.memory_space<vmem>> -> memref<128xi32, #tpu.memory_space<vmem>>
    %dma_start3A_153 = arith.constant 0 : i32
    %dma_start3A_154 = arith.constant 0 : i32
    %dma_start3A_155 = tpu.memref_slice %arg4[%dma_start3A_153, %dma_start3A_154] : memref<125952x128xf32, #tpu.memory_space<hbm>> -> memref<125952x128xf32, #tpu.memory_space<hbm>>
    tpu.enqueue_indirect_dma source(%dma_start3A_155 : memref<125952x128xf32, #tpu.memory_space<hbm>>) target(%arg10 : memref<128x128xf32, #tpu.memory_space<vmem>>) offsets(%dma_start3A_152 : memref<128xi32, #tpu.memory_space<vmem>>) semaphore(%arg12 : memref<!tpu.dma_semaphore, #tpu.memory_space<semaphore_mem>>)
    %dma_start3A_156 = arith.constant 3 : i32
    %dma_start3A_157 = arith.constant 0 : i32
    %dma_start3A_158 = tpu.memref_slice %arg9[%dma_start3A_156, %dma_start3A_157] : memref<4x128xi32, #tpu.memory_space<vmem>> -> memref<1x128xi32, #tpu.memory_space<vmem>>
    %dma_start3A_159 = tpu.memref_squeeze %dma_start3A_158 : memref<1x128xi32, #tpu.memory_space<vmem>> -> memref<128xi32, #tpu.memory_space<vmem>>
    %dma_start3A_160 = arith.constant 0 : i32
    %dma_start3A_161 = arith.constant 0 : i32
    %dma_start3A_162 = tpu.memref_slice %arg5[%dma_start3A_160, %dma_start3A_161] : memref<13312x128xf32, #tpu.memory_space<hbm>> -> memref<13312x128xf32, #tpu.memory_space<hbm>>
    tpu.enqueue_indirect_dma source(%dma_start3A_162 : memref<13312x128xf32, #tpu.memory_space<hbm>>) target(%arg11 : memref<128x128xf32, #tpu.memory_space<vmem>>) offsets(%dma_start3A_159 : memref<128xi32, #tpu.memory_space<vmem>>) semaphore(%arg12 : memref<!tpu.dma_semaphore, #tpu.memory_space<semaphore_mem>>)
    %dma_wait3A_163 = arith.constant 3 : i32
    %dma_wait3A_164 = arith.constant 0 : i32
    %dma_wait3A_165 = tpu.memref_slice %arg8[%dma_wait3A_163, %dma_wait3A_164] : memref<4x128xi32, #tpu.memory_space<vmem>> -> memref<1x128xi32, #tpu.memory_space<vmem>>
    %dma_wait3A_166 = tpu.memref_squeeze %dma_wait3A_165 : memref<1x128xi32, #tpu.memory_space<vmem>> -> memref<128xi32, #tpu.memory_space<vmem>>
    %dma_wait3A_167 = arith.constant 0 : i32
    %dma_wait3A_168 = arith.constant 0 : i32
    %dma_wait3A_169 = tpu.memref_slice %arg4[%dma_wait3A_167, %dma_wait3A_168] : memref<125952x128xf32, #tpu.memory_space<hbm>> -> memref<125952x128xf32, #tpu.memory_space<hbm>>
    tpu.wait_indirect_dma semaphore(%arg12 : memref<!tpu.dma_semaphore, #tpu.memory_space<semaphore_mem>>) src(%dma_wait3A_169 : memref<125952x128xf32, #tpu.memory_space<hbm>>) dst(%arg10 : memref<128x128xf32, #tpu.memory_space<vmem>>)
    %dma_wait3A_170 = arith.constant 3 : i32
    %dma_wait3A_171 = arith.constant 0 : i32
    %dma_wait3A_172 = tpu.memref_slice %arg9[%dma_wait3A_170, %dma_wait3A_171] : memref<4x128xi32, #tpu.memory_space<vmem>> -> memref<1x128xi32, #tpu.memory_space<vmem>>
    %dma_wait3A_173 = tpu.memref_squeeze %dma_wait3A_172 : memref<1x128xi32, #tpu.memory_space<vmem>> -> memref<128xi32, #tpu.memory_space<vmem>>
    %dma_wait3A_174 = arith.constant 0 : i32
    %dma_wait3A_175 = arith.constant 0 : i32
    %dma_wait3A_176 = tpu.memref_slice %arg5[%dma_wait3A_174, %dma_wait3A_175] : memref<13312x128xf32, #tpu.memory_space<hbm>> -> memref<13312x128xf32, #tpu.memory_space<hbm>>
    tpu.wait_indirect_dma semaphore(%arg12 : memref<!tpu.dma_semaphore, #tpu.memory_space<semaphore_mem>>) src(%dma_wait3A_176 : memref<13312x128xf32, #tpu.memory_space<hbm>>) dst(%arg11 : memref<128x128xf32, #tpu.memory_space<vmem>>)
    %add3A_177 = arith.constant 384 : i32
    %add3A_178 = arith.addi %mul3A_2, %add3A_177 : i32
    %dma_start3A_179 = arith.constant 0 : i32
    %dma_start3A_180 = tpu.memref_slice %arg6[%add3A_178, %dma_start3A_179] : memref<16384x128xf32, #tpu.memory_space<hbm>> -> memref<128x128xf32, #tpu.memory_space<hbm>>
    %dma_start3A_181 = arith.constant 0 : i32
    %dma_start3A_182 = tpu.memref_slice %arg6[%add3A_178, %dma_start3A_181] : memref<16384x128xf32, #tpu.memory_space<hbm>> -> memref<128x128xf32, #tpu.memory_space<hbm>>
    tpu.enqueue_dma source(%arg10 : memref<128x128xf32, #tpu.memory_space<vmem>>) target(%dma_start3A_182 : memref<128x128xf32, #tpu.memory_space<hbm>>) target_semaphore(%arg13 : memref<!tpu.dma_semaphore, #tpu.memory_space<semaphore_mem>>)
    %add3A_183 = arith.constant 384 : i32
    %add3A_184 = arith.addi %mul3A_2, %add3A_183 : i32
    %dma_start3A_185 = arith.constant 0 : i32
    %dma_start3A_186 = tpu.memref_slice %arg7[%add3A_184, %dma_start3A_185] : memref<16384x128xf32, #tpu.memory_space<hbm>> -> memref<128x128xf32, #tpu.memory_space<hbm>>
    %dma_start3A_187 = arith.constant 0 : i32
    %dma_start3A_188 = tpu.memref_slice %arg7[%add3A_184, %dma_start3A_187] : memref<16384x128xf32, #tpu.memory_space<hbm>> -> memref<128x128xf32, #tpu.memory_space<hbm>>
    tpu.enqueue_dma source(%arg11 : memref<128x128xf32, #tpu.memory_space<vmem>>) target(%dma_start3A_188 : memref<128x128xf32, #tpu.memory_space<hbm>>) target_semaphore(%arg13 : memref<!tpu.dma_semaphore, #tpu.memory_space<semaphore_mem>>)
    %dma_wait3A_189 = arith.constant 0 : i32
    %dma_wait3A_190 = tpu.memref_slice %arg6[%add3A_178, %dma_wait3A_189] : memref<16384x128xf32, #tpu.memory_space<hbm>> -> memref<128x128xf32, #tpu.memory_space<hbm>>
    %dma_wait3A_191 = arith.constant 0 : i32
    %dma_wait3A_192 = tpu.memref_slice %arg6[%add3A_178, %dma_wait3A_191] : memref<16384x128xf32, #tpu.memory_space<hbm>> -> memref<128x128xf32, #tpu.memory_space<hbm>>
    tpu.wait_dma2 semaphore(%arg13 : memref<!tpu.dma_semaphore, #tpu.memory_space<semaphore_mem>>) src(%arg10 : memref<128x128xf32, #tpu.memory_space<vmem>>) dst(%dma_wait3A_192 : memref<128x128xf32, #tpu.memory_space<hbm>>)
    %dma_wait3A_193 = arith.constant 0 : i32
    %dma_wait3A_194 = tpu.memref_slice %arg7[%add3A_184, %dma_wait3A_193] : memref<16384x128xf32, #tpu.memory_space<hbm>> -> memref<128x128xf32, #tpu.memory_space<hbm>>
    %dma_wait3A_195 = arith.constant 0 : i32
    %dma_wait3A_196 = tpu.memref_slice %arg7[%add3A_184, %dma_wait3A_195] : memref<16384x128xf32, #tpu.memory_space<hbm>> -> memref<128x128xf32, #tpu.memory_space<hbm>>
    tpu.wait_dma2 semaphore(%arg13 : memref<!tpu.dma_semaphore, #tpu.memory_space<semaphore_mem>>) src(%arg11 : memref<128x128xf32, #tpu.memory_space<vmem>>) dst(%dma_wait3A_196 : memref<128x128xf32, #tpu.memory_space<hbm>>)
    return
  }
}

module attributes {stable_mosaic.version = 14 : i64} {
  func.func @_project_body(%arg0: i32, %arg1: memref<16x8192xf32, #tpu.memory_space<vmem>>, %arg2: memref<64x8192xf32, #tpu.memory_space<vmem>>, %arg3: memref<32x8192xf32, #tpu.memory_space<vmem>>, %arg4: memref<16x16xf32, #tpu.memory_space<vmem>>, %arg5: memref<64x16xf32, #tpu.memory_space<vmem>>, %arg6: memref<32x16xf32, #tpu.memory_space<vmem>>, %arg7: memref<1024x128xf32, #tpu.memory_space<vmem>>) attributes {dimension_semantics = [#tpu.dimension_semantics<arbitrary>], iteration_bounds = array<i64: 13>, scalar_prefetch = 0 : i64, scratch_operands = 0 : i64, tpu.core_type = #tpu.core_type<tc>, window_params = [{transform_indices = @transform_0, window_bounds = array<i64: 16, 8192>}, {transform_indices = @transform_1, window_bounds = array<i64: 64, 8192>}, {transform_indices = @transform_2, window_bounds = array<i64: 32, 8192>}, {pipeline_mode = #tpu.pipeline_mode<synchronous>, transform_indices = @transform_3, window_bounds = array<i64: 16, 16>}, {pipeline_mode = #tpu.pipeline_mode<synchronous>, transform_indices = @transform_4, window_bounds = array<i64: 64, 16>}, {pipeline_mode = #tpu.pipeline_mode<synchronous>, transform_indices = @transform_5, window_bounds = array<i64: 32, 16>}, {transform_indices = @transform_6, window_bounds = array<i64: 1024, 128>}]} {
    %get3A = arith.constant 0 : index
    %get3A_0 = arith.constant 0 : index
    %get3A_1 = vector.load %arg4[%get3A, %get3A_0] : memref<16x16xf32, #tpu.memory_space<vmem>>, vector<16x16xf32>
    %get3A_2 = arith.constant 0 : index
    %get3A_3 = arith.constant 0 : index
    %get3A_4 = vector.load %arg1[%get3A_2, %get3A_3] : memref<16x8192xf32, #tpu.memory_space<vmem>>, vector<16x8192xf32>
    %dot_general3A = arith.constant dense<0.000000e+00> : vector<16x8192xf32>
    %dot_general3A_5 = tpu.matmul %get3A_1, %get3A_4, %dot_general3A {dimension_numbers = #tpu.dot_dimension_numbers<[0], [0], [1], [1], [0, 1, 1, 1], [], []>, transpose_lhs_hint = false} : vector<16x16xf32>, vector<16x8192xf32>, vector<16x8192xf32> -> vector<16x8192xf32>
    %get3A_6 = arith.constant 0 : index
    %get3A_7 = arith.constant 0 : index
    %get3A_8 = vector.load %arg5[%get3A_6, %get3A_7] : memref<64x16xf32, #tpu.memory_space<vmem>>, vector<64x16xf32>
    %get3A_9 = arith.constant 0 : index
    %get3A_10 = arith.constant 0 : index
    %get3A_11 = vector.load %arg2[%get3A_9, %get3A_10] : memref<64x8192xf32, #tpu.memory_space<vmem>>, vector<64x8192xf32>
    %dot_general3A_12 = arith.constant dense<0.000000e+00> : vector<16x8192xf32>
    %dot_general3A_13 = tpu.matmul %get3A_8, %get3A_11, %dot_general3A_12 {dimension_numbers = #tpu.dot_dimension_numbers<[0], [0], [1], [1], [0, 1, 1, 1], [], []>, transpose_lhs_hint = false} : vector<64x16xf32>, vector<64x8192xf32>, vector<16x8192xf32> -> vector<16x8192xf32>
    %add3A = arith.addf %dot_general3A_5, %dot_general3A_13 : vector<16x8192xf32>
    %get3A_14 = arith.constant 0 : index
    %get3A_15 = arith.constant 0 : index
    %get3A_16 = vector.load %arg6[%get3A_14, %get3A_15] : memref<32x16xf32, #tpu.memory_space<vmem>>, vector<32x16xf32>
    %get3A_17 = arith.constant 0 : index
    %get3A_18 = arith.constant 0 : index
    %get3A_19 = vector.load %arg3[%get3A_17, %get3A_18] : memref<32x8192xf32, #tpu.memory_space<vmem>>, vector<32x8192xf32>
    %dot_general3A_20 = arith.constant dense<0.000000e+00> : vector<16x8192xf32>
    %dot_general3A_21 = tpu.matmul %get3A_16, %get3A_19, %dot_general3A_20 {dimension_numbers = #tpu.dot_dimension_numbers<[0], [0], [1], [1], [0, 1, 1, 1], [], []>, transpose_lhs_hint = false} : vector<32x16xf32>, vector<32x8192xf32>, vector<16x8192xf32> -> vector<16x8192xf32>
    %add3A_22 = arith.addf %add3A, %dot_general3A_21 : vector<16x8192xf32>
    %slice3A = vector.extract_strided_slice %add3A_22 {offsets = [0, 0], sizes = [16, 1024], strides = [1, 1]} : vector<16x8192xf32> to vector<16x1024xf32>
    %transpose3A = tpu.transpose %slice3A, [1, 0] : vector<16x1024xf32> -> vector<1024x16xf32>
    %slice3A_23 = vector.extract_strided_slice %add3A_22 {offsets = [0, 1024], sizes = [16, 1024], strides = [1, 1]} : vector<16x8192xf32> to vector<16x1024xf32>
    %transpose3A_24 = tpu.transpose %slice3A_23, [1, 0] : vector<16x1024xf32> -> vector<1024x16xf32>
    %slice3A_25 = vector.extract_strided_slice %add3A_22 {offsets = [0, 2048], sizes = [16, 1024], strides = [1, 1]} : vector<16x8192xf32> to vector<16x1024xf32>
    %transpose3A_26 = tpu.transpose %slice3A_25, [1, 0] : vector<16x1024xf32> -> vector<1024x16xf32>
    %slice3A_27 = vector.extract_strided_slice %add3A_22 {offsets = [0, 3072], sizes = [16, 1024], strides = [1, 1]} : vector<16x8192xf32> to vector<16x1024xf32>
    %transpose3A_28 = tpu.transpose %slice3A_27, [1, 0] : vector<16x1024xf32> -> vector<1024x16xf32>
    %slice3A_29 = vector.extract_strided_slice %add3A_22 {offsets = [0, 4096], sizes = [16, 1024], strides = [1, 1]} : vector<16x8192xf32> to vector<16x1024xf32>
    %transpose3A_30 = tpu.transpose %slice3A_29, [1, 0] : vector<16x1024xf32> -> vector<1024x16xf32>
    %slice3A_31 = vector.extract_strided_slice %add3A_22 {offsets = [0, 5120], sizes = [16, 1024], strides = [1, 1]} : vector<16x8192xf32> to vector<16x1024xf32>
    %transpose3A_32 = tpu.transpose %slice3A_31, [1, 0] : vector<16x1024xf32> -> vector<1024x16xf32>
    %slice3A_33 = vector.extract_strided_slice %add3A_22 {offsets = [0, 6144], sizes = [16, 1024], strides = [1, 1]} : vector<16x8192xf32> to vector<16x1024xf32>
    %transpose3A_34 = tpu.transpose %slice3A_33, [1, 0] : vector<16x1024xf32> -> vector<1024x16xf32>
    %slice3A_35 = vector.extract_strided_slice %add3A_22 {offsets = [0, 7168], sizes = [16, 1024], strides = [1, 1]} : vector<16x8192xf32> to vector<16x1024xf32>
    %transpose3A_36 = tpu.transpose %slice3A_35, [1, 0] : vector<16x1024xf32> -> vector<1024x16xf32>
    %concatenate3A = tpu.concatenate %transpose3A, %transpose3A_24, %transpose3A_26, %transpose3A_28, %transpose3A_30, %transpose3A_32, %transpose3A_34, %transpose3A_36 in 1 : vector<1024x16xf32>, vector<1024x16xf32>, vector<1024x16xf32>, vector<1024x16xf32>, vector<1024x16xf32>, vector<1024x16xf32>, vector<1024x16xf32>, vector<1024x16xf32> -> vector<1024x128xf32>
    %swap3A = arith.constant 0 : index
    %swap3A_37 = arith.constant 0 : index
    %swap3A_38 = vector.load %arg7[%swap3A, %swap3A_37] : memref<1024x128xf32, #tpu.memory_space<vmem>>, vector<1024x128xf32>
    tpu.vector_store %arg7[%swap3A, %swap3A_37], %concatenate3A {strides = array<i32>} : memref<1024x128xf32, #tpu.memory_space<vmem>>, vector<1024x128xf32>,
    return
  }
  func.func @transform_0(%arg0: i32) -> (i32, i32) {
    %c0_i32 = arith.constant 0 : i32
    %c0_i32_0 = arith.constant 0 : i32
    return %c0_i32, %arg0 : i32, i32
  }
  func.func @transform_1(%arg0: i32) -> (i32, i32) {
    %c0_i32 = arith.constant 0 : i32
    %c0_i32_0 = arith.constant 0 : i32
    return %c0_i32, %arg0 : i32, i32
  }
  func.func @transform_2(%arg0: i32) -> (i32, i32) {
    %c0_i32 = arith.constant 0 : i32
    %c0_i32_0 = arith.constant 0 : i32
    return %c0_i32, %arg0 : i32, i32
  }
  func.func @transform_3(%arg0: i32) -> (i32, i32) {
    %c0_i32 = arith.constant 0 : i32
    %c0_i32_0 = arith.constant 0 : i32
    %c0_i32_1 = arith.constant 0 : i32
    return %c0_i32, %c0_i32_0 : i32, i32
  }
  func.func @transform_4(%arg0: i32) -> (i32, i32) {
    %c0_i32 = arith.constant 0 : i32
    %c0_i32_0 = arith.constant 0 : i32
    %c0_i32_1 = arith.constant 0 : i32
    return %c0_i32, %c0_i32_0 : i32, i32
  }
  func.func @transform_5(%arg0: i32) -> (i32, i32) {
    %c0_i32 = arith.constant 0 : i32
    %c0_i32_0 = arith.constant 0 : i32
    %c0_i32_1 = arith.constant 0 : i32
    return %c0_i32, %c0_i32_0 : i32, i32
  }
  func.func @transform_6(%arg0: i32) -> (i32, i32) {
    %c0_i32 = arith.constant 0 : i32
    %c0_i32_0 = arith.constant 0 : i32
    return %arg0, %c0_i32 : i32, i32
  }
}

module attributes {stable_mosaic.version = 14 : i64} {
  func.func @_project_body(%arg0: i32, %arg1: memref<16x8192xf32, #tpu.memory_space<vmem>>, %arg2: memref<64x8192xf32, #tpu.memory_space<vmem>>, %arg3: memref<32x8192xf32, #tpu.memory_space<vmem>>, %arg4: memref<16x16xf32, #tpu.memory_space<vmem>>, %arg5: memref<64x16xf32, #tpu.memory_space<vmem>>, %arg6: memref<32x16xf32, #tpu.memory_space<vmem>>, %arg7: memref<1024x128xf32, #tpu.memory_space<vmem>>) attributes {dimension_semantics = [#tpu.dimension_semantics<arbitrary>], iteration_bounds = array<i64: 123>, scalar_prefetch = 0 : i64, scratch_operands = 0 : i64, tpu.core_type = #tpu.core_type<tc>, window_params = [{transform_indices = @transform_0, window_bounds = array<i64: 16, 8192>}, {transform_indices = @transform_1, window_bounds = array<i64: 64, 8192>}, {transform_indices = @transform_2, window_bounds = array<i64: 32, 8192>}, {pipeline_mode = #tpu.pipeline_mode<synchronous>, transform_indices = @transform_3, window_bounds = array<i64: 16, 16>}, {pipeline_mode = #tpu.pipeline_mode<synchronous>, transform_indices = @transform_4, window_bounds = array<i64: 64, 16>}, {pipeline_mode = #tpu.pipeline_mode<synchronous>, transform_indices = @transform_5, window_bounds = array<i64: 32, 16>}, {transform_indices = @transform_6, window_bounds = array<i64: 1024, 128>}]} {
    %get3A = arith.constant 0 : index
    %get3A_0 = arith.constant 0 : index
    %get3A_1 = vector.load %arg4[%get3A, %get3A_0] : memref<16x16xf32, #tpu.memory_space<vmem>>, vector<16x16xf32>
    %get3A_2 = arith.constant 0 : index
    %get3A_3 = arith.constant 0 : index
    %get3A_4 = vector.load %arg1[%get3A_2, %get3A_3] : memref<16x8192xf32, #tpu.memory_space<vmem>>, vector<16x8192xf32>
    %dot_general3A = arith.constant dense<0.000000e+00> : vector<16x8192xf32>
    %dot_general3A_5 = tpu.matmul %get3A_1, %get3A_4, %dot_general3A {dimension_numbers = #tpu.dot_dimension_numbers<[0], [0], [1], [1], [0, 1, 1, 1], [], []>, transpose_lhs_hint = false} : vector<16x16xf32>, vector<16x8192xf32>, vector<16x8192xf32> -> vector<16x8192xf32>
    %get3A_6 = arith.constant 0 : index
    %get3A_7 = arith.constant 0 : index
    %get3A_8 = vector.load %arg5[%get3A_6, %get3A_7] : memref<64x16xf32, #tpu.memory_space<vmem>>, vector<64x16xf32>
    %get3A_9 = arith.constant 0 : index
    %get3A_10 = arith.constant 0 : index
    %get3A_11 = vector.load %arg2[%get3A_9, %get3A_10] : memref<64x8192xf32, #tpu.memory_space<vmem>>, vector<64x8192xf32>
    %dot_general3A_12 = arith.constant dense<0.000000e+00> : vector<16x8192xf32>
    %dot_general3A_13 = tpu.matmul %get3A_8, %get3A_11, %dot_general3A_12 {dimension_numbers = #tpu.dot_dimension_numbers<[0], [0], [1], [1], [0, 1, 1, 1], [], []>, transpose_lhs_hint = false} : vector<64x16xf32>, vector<64x8192xf32>, vector<16x8192xf32> -> vector<16x8192xf32>
    %add3A = arith.addf %dot_general3A_5, %dot_general3A_13 : vector<16x8192xf32>
    %get3A_14 = arith.constant 0 : index
    %get3A_15 = arith.constant 0 : index
    %get3A_16 = vector.load %arg6[%get3A_14, %get3A_15] : memref<32x16xf32, #tpu.memory_space<vmem>>, vector<32x16xf32>
    %get3A_17 = arith.constant 0 : index
    %get3A_18 = arith.constant 0 : index
    %get3A_19 = vector.load %arg3[%get3A_17, %get3A_18] : memref<32x8192xf32, #tpu.memory_space<vmem>>, vector<32x8192xf32>
    %dot_general3A_20 = arith.constant dense<0.000000e+00> : vector<16x8192xf32>
    %dot_general3A_21 = tpu.matmul %get3A_16, %get3A_19, %dot_general3A_20 {dimension_numbers = #tpu.dot_dimension_numbers<[0], [0], [1], [1], [0, 1, 1, 1], [], []>, transpose_lhs_hint = false} : vector<32x16xf32>, vector<32x8192xf32>, vector<16x8192xf32> -> vector<16x8192xf32>
    %add3A_22 = arith.addf %add3A, %dot_general3A_21 : vector<16x8192xf32>
    %slice3A = vector.extract_strided_slice %add3A_22 {offsets = [0, 0], sizes = [16, 1024], strides = [1, 1]} : vector<16x8192xf32> to vector<16x1024xf32>
    %transpose3A = tpu.transpose %slice3A, [1, 0] : vector<16x1024xf32> -> vector<1024x16xf32>
    %slice3A_23 = vector.extract_strided_slice %add3A_22 {offsets = [0, 1024], sizes = [16, 1024], strides = [1, 1]} : vector<16x8192xf32> to vector<16x1024xf32>
    %transpose3A_24 = tpu.transpose %slice3A_23, [1, 0] : vector<16x1024xf32> -> vector<1024x16xf32>
    %slice3A_25 = vector.extract_strided_slice %add3A_22 {offsets = [0, 2048], sizes = [16, 1024], strides = [1, 1]} : vector<16x8192xf32> to vector<16x1024xf32>
    %transpose3A_26 = tpu.transpose %slice3A_25, [1, 0] : vector<16x1024xf32> -> vector<1024x16xf32>
    %slice3A_27 = vector.extract_strided_slice %add3A_22 {offsets = [0, 3072], sizes = [16, 1024], strides = [1, 1]} : vector<16x8192xf32> to vector<16x1024xf32>
    %transpose3A_28 = tpu.transpose %slice3A_27, [1, 0] : vector<16x1024xf32> -> vector<1024x16xf32>
    %slice3A_29 = vector.extract_strided_slice %add3A_22 {offsets = [0, 4096], sizes = [16, 1024], strides = [1, 1]} : vector<16x8192xf32> to vector<16x1024xf32>
    %transpose3A_30 = tpu.transpose %slice3A_29, [1, 0] : vector<16x1024xf32> -> vector<1024x16xf32>
    %slice3A_31 = vector.extract_strided_slice %add3A_22 {offsets = [0, 5120], sizes = [16, 1024], strides = [1, 1]} : vector<16x8192xf32> to vector<16x1024xf32>
    %transpose3A_32 = tpu.transpose %slice3A_31, [1, 0] : vector<16x1024xf32> -> vector<1024x16xf32>
    %slice3A_33 = vector.extract_strided_slice %add3A_22 {offsets = [0, 6144], sizes = [16, 1024], strides = [1, 1]} : vector<16x8192xf32> to vector<16x1024xf32>
    %transpose3A_34 = tpu.transpose %slice3A_33, [1, 0] : vector<16x1024xf32> -> vector<1024x16xf32>
    %slice3A_35 = vector.extract_strided_slice %add3A_22 {offsets = [0, 7168], sizes = [16, 1024], strides = [1, 1]} : vector<16x8192xf32> to vector<16x1024xf32>
    %transpose3A_36 = tpu.transpose %slice3A_35, [1, 0] : vector<16x1024xf32> -> vector<1024x16xf32>
    %concatenate3A = tpu.concatenate %transpose3A, %transpose3A_24, %transpose3A_26, %transpose3A_28, %transpose3A_30, %transpose3A_32, %transpose3A_34, %transpose3A_36 in 1 : vector<1024x16xf32>, vector<1024x16xf32>, vector<1024x16xf32>, vector<1024x16xf32>, vector<1024x16xf32>, vector<1024x16xf32>, vector<1024x16xf32>, vector<1024x16xf32> -> vector<1024x128xf32>
    %swap3A = arith.constant 0 : index
    %swap3A_37 = arith.constant 0 : index
    %swap3A_38 = vector.load %arg7[%swap3A, %swap3A_37] : memref<1024x128xf32, #tpu.memory_space<vmem>>, vector<1024x128xf32>
    tpu.vector_store %arg7[%swap3A, %swap3A_37], %concatenate3A {strides = array<i32>} : memref<1024x128xf32, #tpu.memory_space<vmem>>, vector<1024x128xf32>,
    return
  }
  func.func @transform_0(%arg0: i32) -> (i32, i32) {
    %c0_i32 = arith.constant 0 : i32
    %c0_i32_0 = arith.constant 0 : i32
    return %c0_i32, %arg0 : i32, i32
  }
  func.func @transform_1(%arg0: i32) -> (i32, i32) {
    %c0_i32 = arith.constant 0 : i32
    %c0_i32_0 = arith.constant 0 : i32
    return %c0_i32, %arg0 : i32, i32
  }
  func.func @transform_2(%arg0: i32) -> (i32, i32) {
    %c0_i32 = arith.constant 0 : i32
    %c0_i32_0 = arith.constant 0 : i32
    return %c0_i32, %arg0 : i32, i32
  }
  func.func @transform_3(%arg0: i32) -> (i32, i32) {
    %c0_i32 = arith.constant 0 : i32
    %c0_i32_0 = arith.constant 0 : i32
    %c0_i32_1 = arith.constant 0 : i32
    return %c0_i32, %c0_i32_0 : i32, i32
  }
  func.func @transform_4(%arg0: i32) -> (i32, i32) {
    %c0_i32 = arith.constant 0 : i32
    %c0_i32_0 = arith.constant 0 : i32
    %c0_i32_1 = arith.constant 0 : i32
    return %c0_i32, %c0_i32_0 : i32, i32
  }
  func.func @transform_5(%arg0: i32) -> (i32, i32) {
    %c0_i32 = arith.constant 0 : i32
    %c0_i32_0 = arith.constant 0 : i32
    %c0_i32_1 = arith.constant 0 : i32
    return %c0_i32, %c0_i32_0 : i32, i32
  }
  func.func @transform_6(%arg0: i32) -> (i32, i32) {
    %c0_i32 = arith.constant 0 : i32
    %c0_i32_0 = arith.constant 0 : i32
    return %arg0, %c0_i32 : i32, i32
  }
}

module attributes {stable_mosaic.version = 14 : i64} {
  func.func @_dense_body(%arg0: i32, %arg1: memref<2048x1xi32, #tpu.memory_space<vmem>>, %arg2: memref<2048x1xi32, #tpu.memory_space<vmem>>, %arg3: memref<2048x128xf32, #tpu.memory_space<vmem>>, %arg4: memref<2048x128xf32, #tpu.memory_space<vmem>>, %arg5: memref<1x8xf32, #tpu.memory_space<vmem>>, %arg6: memref<1x8xf32, #tpu.memory_space<vmem>>, %arg7: memref<2048x1xf32, #tpu.memory_space<vmem>>) attributes {dimension_semantics = [#tpu.dimension_semantics<arbitrary>], iteration_bounds = array<i64: 8>, scalar_prefetch = 0 : i64, scratch_operands = 0 : i64, tpu.core_type = #tpu.core_type<tc>, window_params = [{transform_indices = @transform_0, window_bounds = array<i64: 2048, 1>}, {transform_indices = @transform_1, window_bounds = array<i64: 2048, 1>}, {transform_indices = @transform_2, window_bounds = array<i64: 2048, 128>}, {transform_indices = @transform_3, window_bounds = array<i64: 2048, 128>}, {pipeline_mode = #tpu.pipeline_mode<synchronous>, transform_indices = @transform_4, window_bounds = array<i64: 1, 8>}, {pipeline_mode = #tpu.pipeline_mode<synchronous>, transform_indices = @transform_5, window_bounds = array<i64: 1, 8>}, {transform_indices = @transform_6, window_bounds = array<i64: 2048, 1>}]} {
    %get3A = arith.constant 0 : index
    %get3A_0 = arith.constant 0 : index
    %get3A_1 = vector.load %arg1[%get3A, %get3A_0] : memref<2048x1xi32, #tpu.memory_space<vmem>>, vector<2048x1xi32>
    %get3A_2 = arith.constant 0 : index
    %get3A_3 = arith.constant 0 : index
    %get3A_4 = vector.load %arg2[%get3A_2, %get3A_3] : memref<2048x1xi32, #tpu.memory_space<vmem>>, vector<2048x1xi32>
    %get3A_5 = arith.constant 0 : index
    %get3A_6 = arith.constant 0 : index
    %get3A_7 = vector.load %arg3[%get3A_5, %get3A_6] : memref<2048x128xf32, #tpu.memory_space<vmem>>, vector<2048x128xf32>
    %get3A_8 = arith.constant 0 : index
    %get3A_9 = arith.constant 0 : index
    %get3A_10 = vector.load %arg4[%get3A_8, %get3A_9] : memref<2048x128xf32, #tpu.memory_space<vmem>>, vector<2048x128xf32>
    %get3A_11 = arith.constant 0 : index
    %get3A_12 = arith.constant 0 : index
    %get3A_13 = vector.load %arg5[%get3A_11, %get3A_12] : memref<1x8xf32, #tpu.memory_space<vmem>>, vector<1x8xf32>
    %rem3A = arith.constant 8192 : i32
    %rem3A_14 = vector.broadcast %rem3A : i32 to vector<2048x1xi32>
    %rem3A_15 = arith.remsi %get3A_1, %rem3A_14 : vector<2048x1xi32>
    %jit3A = arith.constant 1024 : i32
    %div3A = vector.broadcast %jit3A : i32 to vector<2048x1xi32>
    %div3A_16 = arith.divsi %rem3A_15, %div3A : vector<2048x1xi32>
    %sign3A = arith.constant 0 : i32
    %sign3A_17 = vector.broadcast %sign3A : i32 to vector<2048x1xi32>
    %sign3A_18 = arith.cmpi sgt, %rem3A_15, %sign3A_17 : vector<2048x1xi32>
    %sign3A_19 = arith.extui %sign3A_18 : vector<2048x1xi1> to vector<2048x1xi32>
    %sign3A_20 = arith.constant 0 : i32
    %sign3A_21 = vector.broadcast %sign3A_20 : i32 to vector<2048x1xi32>
    %sign3A_22 = arith.cmpi slt, %rem3A_15, %sign3A_21 : vector<2048x1xi32>
    %sign3A_23 = arith.extui %sign3A_22 : vector<2048x1xi1> to vector<2048x1xi32>
    %sign3A_24 = arith.subi %sign3A_19, %sign3A_23 : vector<2048x1xi32>
    %sign3A_25 = arith.constant 0 : i32
    %sign3A_26 = arith.cmpi sgt, %jit3A, %sign3A_25 : i32
    %sign3A_27 = arith.extui %sign3A_26 : i1 to i32
    %sign3A_28 = arith.constant 0 : i32
    %sign3A_29 = arith.cmpi slt, %jit3A, %sign3A_28 : i32
    %sign3A_30 = arith.extui %sign3A_29 : i1 to i32
    %sign3A_31 = arith.subi %sign3A_27, %sign3A_30 : i32
    %ne3A = vector.broadcast %sign3A_31 : i32 to vector<2048x1xi32>
    %ne3A_32 = arith.cmpi ne, %sign3A_24, %ne3A : vector<2048x1xi32>
    %rem3A_33 = vector.broadcast %jit3A : i32 to vector<2048x1xi32>
    %rem3A_34 = arith.remsi %rem3A_15, %rem3A_33 : vector<2048x1xi32>
    %ne3A_35 = arith.constant 0 : i32
    %ne3A_36 = vector.broadcast %ne3A_35 : i32 to vector<2048x1xi32>
    %ne3A_37 = arith.cmpi ne, %rem3A_34, %ne3A_36 : vector<2048x1xi32>
    %and3A = arith.andi %ne3A_32, %ne3A_37 : vector<2048x1xi1>
    %sub3A = arith.constant 1 : i32
    %sub3A_38 = vector.broadcast %sub3A : i32 to vector<2048x1xi32>
    %sub3A_39 = arith.subi %div3A_16, %sub3A_38 : vector<2048x1xi32>
    %select_n3A = arith.select %and3A, %sub3A_39, %div3A_16 : vector<2048x1xi1>, vector<2048x1xi32>
    %broadcast_in_dim3A = arith.constant 0.000000e+00 : f32
    %broadcast_in_dim3A_40 = vector.broadcast %broadcast_in_dim3A : f32 to vector<2048x8xf32>
    %eq3A = arith.constant 0 : i32
    %eq3A_41 = vector.broadcast %eq3A : i32 to vector<2048x1xi32>
    %eq3A_42 = arith.cmpi eq, %select_n3A, %eq3A_41 : vector<2048x1xi32>
    %slice3A = vector.extract_strided_slice %get3A_7 {offsets = [0, 0], sizes = [2048, 8], strides = [1, 1]} : vector<2048x128xf32> to vector<2048x8xf32>
    %broadcast_in_dim3A_43 = vector.shape_cast %eq3A_42 : vector<2048x1xi1> to vector<2048x1xi1>
    %broadcast_in_dim3A_44 = vector.broadcast %broadcast_in_dim3A_43 : vector<2048x1xi1> to vector<2048x8xi1>
    %select_n3A_45 = arith.select %broadcast_in_dim3A_44, %slice3A, %broadcast_in_dim3A_40 : vector<2048x8xi1>, vector<2048x8xf32>
    %eq3A_46 = arith.constant 1 : i32
    %eq3A_47 = vector.broadcast %eq3A_46 : i32 to vector<2048x1xi32>
    %eq3A_48 = arith.cmpi eq, %select_n3A, %eq3A_47 : vector<2048x1xi32>
    %slice3A_49 = vector.extract_strided_slice %get3A_7 {offsets = [0, 16], sizes = [2048, 8], strides = [1, 1]} : vector<2048x128xf32> to vector<2048x8xf32>
    %broadcast_in_dim3A_50 = vector.shape_cast %eq3A_48 : vector<2048x1xi1> to vector<2048x1xi1>
    %broadcast_in_dim3A_51 = vector.broadcast %broadcast_in_dim3A_50 : vector<2048x1xi1> to vector<2048x8xi1>
    %select_n3A_52 = arith.select %broadcast_in_dim3A_51, %slice3A_49, %select_n3A_45 : vector<2048x8xi1>, vector<2048x8xf32>
    %eq3A_53 = arith.constant 2 : i32
    %eq3A_54 = vector.broadcast %eq3A_53 : i32 to vector<2048x1xi32>
    %eq3A_55 = arith.cmpi eq, %select_n3A, %eq3A_54 : vector<2048x1xi32>
    %slice3A_56 = vector.extract_strided_slice %get3A_7 {offsets = [0, 32], sizes = [2048, 8], strides = [1, 1]} : vector<2048x128xf32> to vector<2048x8xf32>
    %broadcast_in_dim3A_57 = vector.shape_cast %eq3A_55 : vector<2048x1xi1> to vector<2048x1xi1>
    %broadcast_in_dim3A_58 = vector.broadcast %broadcast_in_dim3A_57 : vector<2048x1xi1> to vector<2048x8xi1>
    %select_n3A_59 = arith.select %broadcast_in_dim3A_58, %slice3A_56, %select_n3A_52 : vector<2048x8xi1>, vector<2048x8xf32>
    %eq3A_60 = arith.constant 3 : i32
    %eq3A_61 = vector.broadcast %eq3A_60 : i32 to vector<2048x1xi32>
    %eq3A_62 = arith.cmpi eq, %select_n3A, %eq3A_61 : vector<2048x1xi32>
    %slice3A_63 = vector.extract_strided_slice %get3A_7 {offsets = [0, 48], sizes = [2048, 8], strides = [1, 1]} : vector<2048x128xf32> to vector<2048x8xf32>
    %broadcast_in_dim3A_64 = vector.shape_cast %eq3A_62 : vector<2048x1xi1> to vector<2048x1xi1>
    %broadcast_in_dim3A_65 = vector.broadcast %broadcast_in_dim3A_64 : vector<2048x1xi1> to vector<2048x8xi1>
    %select_n3A_66 = arith.select %broadcast_in_dim3A_65, %slice3A_63, %select_n3A_59 : vector<2048x8xi1>, vector<2048x8xf32>
    %eq3A_67 = arith.constant 4 : i32
    %eq3A_68 = vector.broadcast %eq3A_67 : i32 to vector<2048x1xi32>
    %eq3A_69 = arith.cmpi eq, %select_n3A, %eq3A_68 : vector<2048x1xi32>
    %slice3A_70 = vector.extract_strided_slice %get3A_7 {offsets = [0, 64], sizes = [2048, 8], strides = [1, 1]} : vector<2048x128xf32> to vector<2048x8xf32>
    %broadcast_in_dim3A_71 = vector.shape_cast %eq3A_69 : vector<2048x1xi1> to vector<2048x1xi1>
    %broadcast_in_dim3A_72 = vector.broadcast %broadcast_in_dim3A_71 : vector<2048x1xi1> to vector<2048x8xi1>
    %select_n3A_73 = arith.select %broadcast_in_dim3A_72, %slice3A_70, %select_n3A_66 : vector<2048x8xi1>, vector<2048x8xf32>
    %eq3A_74 = arith.constant 5 : i32
    %eq3A_75 = vector.broadcast %eq3A_74 : i32 to vector<2048x1xi32>
    %eq3A_76 = arith.cmpi eq, %select_n3A, %eq3A_75 : vector<2048x1xi32>
    %slice3A_77 = vector.extract_strided_slice %get3A_7 {offsets = [0, 80], sizes = [2048, 8], strides = [1, 1]} : vector<2048x128xf32> to vector<2048x8xf32>
    %broadcast_in_dim3A_78 = vector.shape_cast %eq3A_76 : vector<2048x1xi1> to vector<2048x1xi1>
    %broadcast_in_dim3A_79 = vector.broadcast %broadcast_in_dim3A_78 : vector<2048x1xi1> to vector<2048x8xi1>
    %select_n3A_80 = arith.select %broadcast_in_dim3A_79, %slice3A_77, %select_n3A_73 : vector<2048x8xi1>, vector<2048x8xf32>
    %eq3A_81 = arith.constant 6 : i32
    %eq3A_82 = vector.broadcast %eq3A_81 : i32 to vector<2048x1xi32>
    %eq3A_83 = arith.cmpi eq, %select_n3A, %eq3A_82 : vector<2048x1xi32>
    %slice3A_84 = vector.extract_strided_slice %get3A_7 {offsets = [0, 96], sizes = [2048, 8], strides = [1, 1]} : vector<2048x128xf32> to vector<2048x8xf32>
    %broadcast_in_dim3A_85 = vector.shape_cast %eq3A_83 : vector<2048x1xi1> to vector<2048x1xi1>
    %broadcast_in_dim3A_86 = vector.broadcast %broadcast_in_dim3A_85 : vector<2048x1xi1> to vector<2048x8xi1>
    %select_n3A_87 = arith.select %broadcast_in_dim3A_86, %slice3A_84, %select_n3A_80 : vector<2048x8xi1>, vector<2048x8xf32>
    %eq3A_88 = arith.constant 7 : i32
    %eq3A_89 = vector.broadcast %eq3A_88 : i32 to vector<2048x1xi32>
    %eq3A_90 = arith.cmpi eq, %select_n3A, %eq3A_89 : vector<2048x1xi32>
    %slice3A_91 = vector.extract_strided_slice %get3A_7 {offsets = [0, 112], sizes = [2048, 8], strides = [1, 1]} : vector<2048x128xf32> to vector<2048x8xf32>
    %broadcast_in_dim3A_92 = vector.shape_cast %eq3A_90 : vector<2048x1xi1> to vector<2048x1xi1>
    %broadcast_in_dim3A_93 = vector.broadcast %broadcast_in_dim3A_92 : vector<2048x1xi1> to vector<2048x8xi1>
    %select_n3A_94 = arith.select %broadcast_in_dim3A_93, %slice3A_91, %select_n3A_87 : vector<2048x8xi1>, vector<2048x8xf32>
    %add3A = vector.broadcast %get3A_13 : vector<1x8xf32> to vector<2048x8xf32>
    %add3A_95 = arith.addf %add3A, %select_n3A_94 : vector<2048x8xf32>
    %rem3A_96 = arith.constant 8192 : i32
    %rem3A_97 = vector.broadcast %rem3A_96 : i32 to vector<2048x1xi32>
    %rem3A_98 = arith.remsi %get3A_4, %rem3A_97 : vector<2048x1xi32>
    %jit3A_99 = arith.constant 1024 : i32
    %div3A_100 = vector.broadcast %jit3A_99 : i32 to vector<2048x1xi32>
    %div3A_101 = arith.divsi %rem3A_98, %div3A_100 : vector<2048x1xi32>
    %sign3A_102 = arith.constant 0 : i32
    %sign3A_103 = vector.broadcast %sign3A_102 : i32 to vector<2048x1xi32>
    %sign3A_104 = arith.cmpi sgt, %rem3A_98, %sign3A_103 : vector<2048x1xi32>
    %sign3A_105 = arith.extui %sign3A_104 : vector<2048x1xi1> to vector<2048x1xi32>
    %sign3A_106 = arith.constant 0 : i32
    %sign3A_107 = vector.broadcast %sign3A_106 : i32 to vector<2048x1xi32>
    %sign3A_108 = arith.cmpi slt, %rem3A_98, %sign3A_107 : vector<2048x1xi32>
    %sign3A_109 = arith.extui %sign3A_108 : vector<2048x1xi1> to vector<2048x1xi32>
    %sign3A_110 = arith.subi %sign3A_105, %sign3A_109 : vector<2048x1xi32>
    %sign3A_111 = arith.constant 0 : i32
    %sign3A_112 = arith.cmpi sgt, %jit3A_99, %sign3A_111 : i32
    %sign3A_113 = arith.extui %sign3A_112 : i1 to i32
    %sign3A_114 = arith.constant 0 : i32
    %sign3A_115 = arith.cmpi slt, %jit3A_99, %sign3A_114 : i32
    %sign3A_116 = arith.extui %sign3A_115 : i1 to i32
    %sign3A_117 = arith.subi %sign3A_113, %sign3A_116 : i32
    %ne3A_118 = vector.broadcast %sign3A_117 : i32 to vector<2048x1xi32>
    %ne3A_119 = arith.cmpi ne, %sign3A_110, %ne3A_118 : vector<2048x1xi32>
    %rem3A_120 = vector.broadcast %jit3A_99 : i32 to vector<2048x1xi32>
    %rem3A_121 = arith.remsi %rem3A_98, %rem3A_120 : vector<2048x1xi32>
    %ne3A_122 = arith.constant 0 : i32
    %ne3A_123 = vector.broadcast %ne3A_122 : i32 to vector<2048x1xi32>
    %ne3A_124 = arith.cmpi ne, %rem3A_121, %ne3A_123 : vector<2048x1xi32>
    %and3A_125 = arith.andi %ne3A_119, %ne3A_124 : vector<2048x1xi1>
    %sub3A_126 = arith.constant 1 : i32
    %sub3A_127 = vector.broadcast %sub3A_126 : i32 to vector<2048x1xi32>
    %sub3A_128 = arith.subi %div3A_101, %sub3A_127 : vector<2048x1xi32>
    %select_n3A_129 = arith.select %and3A_125, %sub3A_128, %div3A_101 : vector<2048x1xi1>, vector<2048x1xi32>
    %broadcast_in_dim3A_130 = arith.constant 0.000000e+00 : f32
    %broadcast_in_dim3A_131 = vector.broadcast %broadcast_in_dim3A_130 : f32 to vector<2048x8xf32>
    %eq3A_132 = arith.constant 0 : i32
    %eq3A_133 = vector.broadcast %eq3A_132 : i32 to vector<2048x1xi32>
    %eq3A_134 = arith.cmpi eq, %select_n3A_129, %eq3A_133 : vector<2048x1xi32>
    %slice3A_135 = vector.extract_strided_slice %get3A_10 {offsets = [0, 0], sizes = [2048, 8], strides = [1, 1]} : vector<2048x128xf32> to vector<2048x8xf32>
    %broadcast_in_dim3A_136 = vector.shape_cast %eq3A_134 : vector<2048x1xi1> to vector<2048x1xi1>
    %broadcast_in_dim3A_137 = vector.broadcast %broadcast_in_dim3A_136 : vector<2048x1xi1> to vector<2048x8xi1>
    %select_n3A_138 = arith.select %broadcast_in_dim3A_137, %slice3A_135, %broadcast_in_dim3A_131 : vector<2048x8xi1>, vector<2048x8xf32>
    %eq3A_139 = arith.constant 1 : i32
    %eq3A_140 = vector.broadcast %eq3A_139 : i32 to vector<2048x1xi32>
    %eq3A_141 = arith.cmpi eq, %select_n3A_129, %eq3A_140 : vector<2048x1xi32>
    %slice3A_142 = vector.extract_strided_slice %get3A_10 {offsets = [0, 16], sizes = [2048, 8], strides = [1, 1]} : vector<2048x128xf32> to vector<2048x8xf32>
    %broadcast_in_dim3A_143 = vector.shape_cast %eq3A_141 : vector<2048x1xi1> to vector<2048x1xi1>
    %broadcast_in_dim3A_144 = vector.broadcast %broadcast_in_dim3A_143 : vector<2048x1xi1> to vector<2048x8xi1>
    %select_n3A_145 = arith.select %broadcast_in_dim3A_144, %slice3A_142, %select_n3A_138 : vector<2048x8xi1>, vector<2048x8xf32>
    %eq3A_146 = arith.constant 2 : i32
    %eq3A_147 = vector.broadcast %eq3A_146 : i32 to vector<2048x1xi32>
    %eq3A_148 = arith.cmpi eq, %select_n3A_129, %eq3A_147 : vector<2048x1xi32>
    %slice3A_149 = vector.extract_strided_slice %get3A_10 {offsets = [0, 32], sizes = [2048, 8], strides = [1, 1]} : vector<2048x128xf32> to vector<2048x8xf32>
    %broadcast_in_dim3A_150 = vector.shape_cast %eq3A_148 : vector<2048x1xi1> to vector<2048x1xi1>
    %broadcast_in_dim3A_151 = vector.broadcast %broadcast_in_dim3A_150 : vector<2048x1xi1> to vector<2048x8xi1>
    %select_n3A_152 = arith.select %broadcast_in_dim3A_151, %slice3A_149, %select_n3A_145 : vector<2048x8xi1>, vector<2048x8xf32>
    %eq3A_153 = arith.constant 3 : i32
    %eq3A_154 = vector.broadcast %eq3A_153 : i32 to vector<2048x1xi32>
    %eq3A_155 = arith.cmpi eq, %select_n3A_129, %eq3A_154 : vector<2048x1xi32>
    %slice3A_156 = vector.extract_strided_slice %get3A_10 {offsets = [0, 48], sizes = [2048, 8], strides = [1, 1]} : vector<2048x128xf32> to vector<2048x8xf32>
    %broadcast_in_dim3A_157 = vector.shape_cast %eq3A_155 : vector<2048x1xi1> to vector<2048x1xi1>
    %broadcast_in_dim3A_158 = vector.broadcast %broadcast_in_dim3A_157 : vector<2048x1xi1> to vector<2048x8xi1>
    %select_n3A_159 = arith.select %broadcast_in_dim3A_158, %slice3A_156, %select_n3A_152 : vector<2048x8xi1>, vector<2048x8xf32>
    %eq3A_160 = arith.constant 4 : i32
    %eq3A_161 = vector.broadcast %eq3A_160 : i32 to vector<2048x1xi32>
    %eq3A_162 = arith.cmpi eq, %select_n3A_129, %eq3A_161 : vector<2048x1xi32>
    %slice3A_163 = vector.extract_strided_slice %get3A_10 {offsets = [0, 64], sizes = [2048, 8], strides = [1, 1]} : vector<2048x128xf32> to vector<2048x8xf32>
    %broadcast_in_dim3A_164 = vector.shape_cast %eq3A_162 : vector<2048x1xi1> to vector<2048x1xi1>
    %broadcast_in_dim3A_165 = vector.broadcast %broadcast_in_dim3A_164 : vector<2048x1xi1> to vector<2048x8xi1>
    %select_n3A_166 = arith.select %broadcast_in_dim3A_165, %slice3A_163, %select_n3A_159 : vector<2048x8xi1>, vector<2048x8xf32>
    %eq3A_167 = arith.constant 5 : i32
    %eq3A_168 = vector.broadcast %eq3A_167 : i32 to vector<2048x1xi32>
    %eq3A_169 = arith.cmpi eq, %select_n3A_129, %eq3A_168 : vector<2048x1xi32>
    %slice3A_170 = vector.extract_strided_slice %get3A_10 {offsets = [0, 80], sizes = [2048, 8], strides = [1, 1]} : vector<2048x128xf32> to vector<2048x8xf32>
    %broadcast_in_dim3A_171 = vector.shape_cast %eq3A_169 : vector<2048x1xi1> to vector<2048x1xi1>
    %broadcast_in_dim3A_172 = vector.broadcast %broadcast_in_dim3A_171 : vector<2048x1xi1> to vector<2048x8xi1>
    %select_n3A_173 = arith.select %broadcast_in_dim3A_172, %slice3A_170, %select_n3A_166 : vector<2048x8xi1>, vector<2048x8xf32>
    %eq3A_174 = arith.constant 6 : i32
    %eq3A_175 = vector.broadcast %eq3A_174 : i32 to vector<2048x1xi32>
    %eq3A_176 = arith.cmpi eq, %select_n3A_129, %eq3A_175 : vector<2048x1xi32>
    %slice3A_177 = vector.extract_strided_slice %get3A_10 {offsets = [0, 96], sizes = [2048, 8], strides = [1, 1]} : vector<2048x128xf32> to vector<2048x8xf32>
    %broadcast_in_dim3A_178 = vector.shape_cast %eq3A_176 : vector<2048x1xi1> to vector<2048x1xi1>
    %broadcast_in_dim3A_179 = vector.broadcast %broadcast_in_dim3A_178 : vector<2048x1xi1> to vector<2048x8xi1>
    %select_n3A_180 = arith.select %broadcast_in_dim3A_179, %slice3A_177, %select_n3A_173 : vector<2048x8xi1>, vector<2048x8xf32>
    %eq3A_181 = arith.constant 7 : i32
    %eq3A_182 = vector.broadcast %eq3A_181 : i32 to vector<2048x1xi32>
    %eq3A_183 = arith.cmpi eq, %select_n3A_129, %eq3A_182 : vector<2048x1xi32>
    %slice3A_184 = vector.extract_strided_slice %get3A_10 {offsets = [0, 112], sizes = [2048, 8], strides = [1, 1]} : vector<2048x128xf32> to vector<2048x8xf32>
    %broadcast_in_dim3A_185 = vector.shape_cast %eq3A_183 : vector<2048x1xi1> to vector<2048x1xi1>
    %broadcast_in_dim3A_186 = vector.broadcast %broadcast_in_dim3A_185 : vector<2048x1xi1> to vector<2048x8xi1>
    %select_n3A_187 = arith.select %broadcast_in_dim3A_186, %slice3A_184, %select_n3A_180 : vector<2048x8xi1>, vector<2048x8xf32>
    %add3A_188 = arith.addf %add3A_95, %select_n3A_187 : vector<2048x8xf32>
    %max3A = arith.constant 0.000000e+00 : f32
    %max3A_189 = vector.broadcast %max3A : f32 to vector<2048x8xf32>
    %max3A_190 = arith.maximumf %add3A_188, %max3A_189 : vector<2048x8xf32>
    %get3A_191 = arith.constant 0 : index
    %get3A_192 = arith.constant 0 : index
    %get3A_193 = vector.load %arg6[%get3A_191, %get3A_192] : memref<1x8xf32, #tpu.memory_space<vmem>>, vector<1x8xf32>
    %mul3A = vector.broadcast %get3A_193 : vector<1x8xf32> to vector<2048x8xf32>
    %mul3A_194 = arith.mulf %max3A_190, %mul3A : vector<2048x8xf32>
    %reduce_sum3A = arith.constant dense<0.000000e+00> : vector<2048xf32>
    %reduce_sum3A_195 = vector.multi_reduction <add>, %mul3A_194, %reduce_sum3A [1] : vector<2048x8xf32> to vector<2048xf32>
    %broadcast_in_dim3A_196 = vector.shape_cast %reduce_sum3A_195 : vector<2048xf32> to vector<2048x1xf32>
    %swap3A = arith.constant 0 : index
    %swap3A_197 = arith.constant 0 : index
    %swap3A_198 = vector.load %arg7[%swap3A, %swap3A_197] : memref<2048x1xf32, #tpu.memory_space<vmem>>, vector<2048x1xf32>
    tpu.vector_store %arg7[%swap3A, %swap3A_197], %broadcast_in_dim3A_196 {strides = array<i32>} : memref<2048x1xf32, #tpu.memory_space<vmem>>, vector<2048x1xf32>,
    return
  }
  func.func @transform_0(%arg0: i32) -> (i32, i32) {
    %c0_i32 = arith.constant 0 : i32
    %c0_i32_0 = arith.constant 0 : i32
    return %arg0, %c0_i32 : i32, i32
  }
  func.func @transform_1(%arg0: i32) -> (i32, i32) {
    %c0_i32 = arith.constant 0 : i32
    %c0_i32_0 = arith.constant 0 : i32
    return %arg0, %c0_i32 : i32, i32
  }
  func.func @transform_2(%arg0: i32) -> (i32, i32) {
    %c0_i32 = arith.constant 0 : i32
    %c0_i32_0 = arith.constant 0 : i32
    return %arg0, %c0_i32 : i32, i32
  }
  func.func @transform_3(%arg0: i32) -> (i32, i32) {
    %c0_i32 = arith.constant 0 : i32
    %c0_i32_0 = arith.constant 0 : i32
    return %arg0, %c0_i32 : i32, i32
  }
  func.func @transform_4(%arg0: i32) -> (i32, i32) {
    %c0_i32 = arith.constant 0 : i32
    %c0_i32_0 = arith.constant 0 : i32
    %c0_i32_1 = arith.constant 0 : i32
    return %c0_i32, %c0_i32_0 : i32, i32
  }
  func.func @transform_5(%arg0: i32) -> (i32, i32) {
    %c0_i32 = arith.constant 0 : i32
    %c0_i32_0 = arith.constant 0 : i32
    %c0_i32_1 = arith.constant 0 : i32
    return %c0_i32, %c0_i32_0 : i32, i32
  }
  func.func @transform_6(%arg0: i32) -> (i32, i32) {
    %c0_i32 = arith.constant 0 : i32
    %c0_i32_0 = arith.constant 0 : i32
    return %arg0, %c0_i32 : i32, i32
  }
}

</mosaic_0001>

<sc_bundles>
// kernel: kernel.6.cloned.1.call-start
scs
__scs_entry_jumppad:
0x0: {  	(pc) =	sbr.rel $0x88, $3  }
0x1: {  	(tag) =	ssettag $0x0;
	lr =	simm.s32 $0x1  }
0x2: {  	[smem:$0x3F91] =	sst lr;
	_ =	strace $0xD0000000  }
0x3: {  	_ = 	snop  }
0x4: {  	_ = 	snop  }
0x5: {  	_ = 	snop  }
0x6: {  	_ = 	snop  }
0x7: {  	_ = 	snop  }
__scs_overlays_trampoline_lowered:
0x8: {  	[smem:$0x3FA0] =	sst s0  }
0x9: {  	[smem:$0x3FA1] =	sst s1  }
0xa: {  	[smem:$0x3FA2] =	sst s2  }
0xb: {  	[smem:$0x3FA3] =	sst s3  }
0xc: {  	[smem:$0x3FA4] =	sst s4  }
0xd: {  	[smem:$0x3FA5] =	sst s5  }
0xe: {  	[smem:$0x3FA6] =	sst s6  }
0xf: {  	[smem:$0x3FA7] =	sst s7  }
0x10: {  	[smem:$0x3FA8] =	sst s8  }
0x11: {  	[smem:$0x3FA9] =	sst s9;
	s0 =	simm.s32 @!p0 $0x0  }
0x12: {  	s1 =	sld [smem:$0x3F8F];
	s0 =	simm.s32 @p0 $0x1  }
0x13: {  	[smem:$0x3FAA] =	sst s0;
	s0 =	simm.s32 @!p1 $0x0  }
0x14: {  	s2 =	sld [smem:$0x3F8E];
	s0 =	simm.s32 @p1 $0x1  }
0x15: {  	[smem:$0x3FAB] =	sst s0;
	s0 =	simm.s32 @!p2 $0x0  }
0x16: {  	s3 =	sld [smem:$0x3FDB];
	s0 =	simm.s32 @p2 $0x1  }
0x17: {  	s4 =	simm.s32 $0x1BF5;
	[smem:$0x3FAD] =	sst s0  }
0x18: {  	s0 =	sld [smem:$0x3F90];
	_ =	swait.ge [sflag:s4], $0x0  }
0x19: {  	s7 =	sld [smem:$0x3F91]  }
0x1a: {  	s8 =	sadd.s32 $0xFFFFE003, lr  }
0x1b: {  	s9 =	sadd.s32 $0xFFFFFEF7, lr;
	s5 =	simm.s32 $0xFFFFFFFF;
	p2 =	slt.u32 s8, $0xFFFFF086  }
0x1c: {  	p1 =	slt.u32 s9, $0xF7A;
	s5 =	simm.s32 @!p2 $0x0  }
0x1d: {  	s5 =	simm.s32 @p1 $0x1;
	p0 =	seq.s32 s7, s2  }
0x1e: {  	s7 =	smul.u32 @!p0 $0xF7A, s2;
	p2 =	seq.s32 @!p0 s5, $0x0  }
0x1f: {  	s9 =	smul.u32 $0xF7A, s1;
	s8 =	simm.s32 @!p0 $0x1BF5;
	p2 =	por !p2, p0  }
0x20: {  	[sflag:s8] =	ssyncset.s32 @!p0 $0xFFFFF086;
	s6 =	sadd.s32 @!p0 s3, s7;
	s7 =	simm.s32 @!p0 $0x108  }
0x21: {  	s3 =	sadd.s32 s3, s9;
	s6 =	sadd.s32 @!p0 $0x88, s6;
	s7 =	simm.s32 @p2 $0x1082  }
0x22: {  	[simem:s7], [sflag:s8] =	dma.local @!p0 [hbm:s6], $0xF7A  }
0x23: {  	s9 =	sor.u32 $0xD0000000, s2;
	s6 =	simm.s32 $0x108;
	_ =	swait.ge @!p0 [sflag:s8], $0x0  }
0x24: {  	s3 =	sadd.s32 $0x88, s3;
	s6 =	simm.s32 @!p1 $0x1082;
	[sflag:s4] =	ssyncset.s32 $0xFFFFF086  }
0x25: {  	[simem:s6], [sflag:s4] =	dma.local [hbm:s3], $0xF7A  }
0x26: {  	[smem:$0x3F91] =	sst s1;
	(tag) =	ssettag s2;
	_ =	strace s9  }
0x27: {  	s1 =	sld [smem:$0x3FA1]  }
0x28: {  	s2 =	sld [smem:$0x3FA2]  }
0x29: {  	s4 =	sld [smem:$0x3FA4]  }
0x2a: {  	p0 =	seq.s32 s5, $0x0;
	s5 =	sld [smem:$0x3FA5]  }
0x2b: {  	s6 =	sld [smem:$0x3FA6]  }
0x2c: {  	s7 =	sld [smem:$0x3FA7]  }
0x2d: {  	s3 =	simm.s32 $0x108;
	s8 =	sld [smem:$0x3FA8]  }
0x2e: {  	s3 =	simm.s32 @!p0 $0x1082;
	s9 =	sld [smem:$0x3FA9]  }
0x2f: {  	lr =	sadd.s32 s0, s3;
	s0 =	sld [smem:$0x3FA0]  }
0x30: {  	s3 =	sld [smem:$0x3FA3]  }
0x31: {  	[smem:$0x3FAC] =	sst s10  }
0x32: {  	s10 =	sld [smem:$0x3FAA];
	_ =	sdelay $0x3  }
0x33: {  	p0 =	seq.s32 s10, $0x1;
	s10 =	sld [smem:$0x3FAC];
	_ =	sdelay $0x3  }
0x34: {  	[smem:$0x3FAC] =	sst s10  }
0x35: {  	s10 =	sld [smem:$0x3FAB];
	_ =	sdelay $0x3  }
0x36: {  	p1 =	seq.s32 s10, $0x1;
	s10 =	sld [smem:$0x3FAC];
	_ =	sdelay $0x3  }
0x37: {  	[smem:$0x3FAC] =	sst s10  }
0x38: {  	s10 =	sld [smem:$0x3FAD]  }
0x39: {  	_ = 	snop;
	(pc) =	sbr.ind lr, $3  }
0x3a: {  	_ = 	snop  }
0x3b: {  	_ = 	snop  }
0x3c: {  	p2 =	seq.s32 s10, $0x1;
	s10 =	sld [smem:$0x3FAC]  }
0x3d: {  	_ =	shalt  }
0x3e: {  	_ =	shalt  }
0x3f: {  	_ =	shalt  }
0x40: {  	_ =	shalt  }
0x41: {  	_ =	shalt  }
0x42: {  	_ =	shalt  }
0x43: {  	_ =	shalt  }
0x44: {  	_ =	shalt  }
0x45: {  	_ =	shalt  }
0x46: {  	_ =	shalt  }
0x47: {  	_ =	shalt  }
0x48: {  	_ =	shalt  }
0x49: {  	_ =	shalt  }
0x4a: {  	_ =	shalt  }
0x4b: {  	_ =	shalt  }
0x4c: {  	_ =	shalt  }
0x4d: {  	_ =	shalt  }
0x4e: {  	_ =	shalt  }
0x4f: {  	_ =	shalt  }
0x50: {  	_ =	shalt  }
0x51: {  	_ =	shalt  }
0x52: {  	_ =	shalt  }
0x53: {  	_ =	shalt  }
0x54: {  	_ =	shalt  }
0x55: {  	_ =	shalt  }
0x56: {  	_ =	shalt  }
0x57: {  	_ =	shalt  }
0x58: {  	_ =	shalt  }
0x59: {  	_ =	shalt  }
0x5a: {  	_ =	shalt  }
0x5b: {  	_ =	shalt  }
0x5c: {  	_ =	shalt  }
0x5d: {  	_ =	shalt  }
0x5e: {  	_ =	shalt  }
0x5f: {  	_ =	shalt  }
0x60: {  	_ =	shalt  }
0x61: {  	_ =	shalt  }
0x62: {  	_ =	shalt  }
0x63: {  	_ =	shalt  }
0x64: {  	_ =	shalt  }
0x65: {  	_ =	shalt  }
0x66: {  	_ =	shalt  }
0x67: {  	_ =	shalt  }
0x68: {  	_ =	shalt  }
0x69: {  	_ =	shalt  }
0x6a: {  	_ =	shalt  }
0x6b: {  	_ =	shalt  }
0x6c: {  	_ =	shalt  }
0x6d: {  	_ =	shalt  }
0x6e: {  	_ =	shalt  }
0x6f: {  	_ =	shalt  }
0x70: {  	_ =	shalt  }
0x71: {  	_ =	shalt  }
0x72: {  	_ =	shalt  }
0x73: {  	_ =	shalt  }
0x74: {  	_ =	shalt  }
0x75: {  	_ =	shalt  }
0x76: {  	_ =	shalt  }
0x77: {  	_ =	shalt  }
0x78: {  	_ =	shalt  }
0x79: {  	_ =	shalt  }
0x7a: {  	_ =	shalt  }
0x7b: {  	_ =	shalt  }
0x7c: {  	_ =	shalt  }
0x7d: {  	_ =	shalt  }
0x7e: {  	_ =	shalt  }
0x7f: {  	_ =	shalt  }
0x80: {  	_ =	shalt  }
0x81: {  	_ =	shalt  }
0x82: {  	_ =	shalt  }
0x83: {  	_ =	shalt  }
0x84: {  	_ =	shalt  }
0x85: {  	_ =	shalt  }
0x86: {  	_ =	shalt  }
0x87: {  	_ =	shalt  }
.Lfunc_end0:
.L_simem_size_0:
called_computation_lowered:
.L_overlay_start_0:
0x88: {  	s2 =	sld [smem:$0x3FD9]  }
0x89: {  	s3 =	sld [smem:$0x3FFE];
	_ =	sdelay $0x1  }
0x8a: {  	s1 =	srdreg.scid  }
0x8b: {  	s0 =	sand.u32 $0x1, s1  }
0x8c: {  	s17 =	sshll.u32 s0, $0xA;
	s2 =	sadd.s32 s3, s2  }
0x8d: {  	s2 =	sadd.s32 s2, s17  }
0x8e: {  	[smem:$0x3FB8] =	sst s2  }
0x8f: {  	_ = 	snop  }
0x90: {  	s2 =	sld [smem:$0x3FD0];
	(tm) =	ssettm $0x1  }
0x91: {  	s18 =	sld [smem:$0x3FFB];
	_ =	sdelay $0x3  }
0x92: {  	_ =	strace s18  }
0x93: {  	s3 =	sld [smem:$0x3FFC];
	_ =	sdelay $0x3  }
0x94: {  	_ =	strace s3  }
0x95: {  	s3 =	sld [smem:$0x3FFD];
	_ =	sdelay $0x3  }
0x96: {  	_ =	strace s3  }
0x97: {  	_ =	strace $0x8FFFFFFF  }
0x98: {  	s19 =	sld [smem:$0x3FDB];
	_ =	sdelay $0x1  }
0x99: {  	s4 =	simm.s32 $_scs_section_size  }
0x9a: {  	s5 =	simm.s32 $_size__tile_overlayer_lowered;
	s6 =	simm.s32 $_tile_overlayer_lowered  }
0x9b: {  	s22 =	simm.s32 $0x1BFF;
	s21 =	sshll.u32 s6, $0x1;
	s3 =	sadd.s32 s4, s19  }
0x9c: {  	s7 =	simm.s32 $0x0;
	s20 =	sshll.u32 s5, $0x1;
	s5 =	sadd.s32 s21, s3  }
0x9d: {  	[timem:s7], [sflag:s22] =	dma.local [hbm:s5], s20  }
0x9e: {  	_ =	swait.ge [sflag:s22], s20  }
0x9f: {  	s4 =	ssub.s32 $0x0, s20;
	[sflag:s22] =	ssyncset.done $0x0  }
0xa0: {  	[sflag:s22] =	ssyncadd.s32 s4;
	_ =	sdelay $0x1  }
0xa1: {  	s23 =	simm.s32 $0x1B8B  }
0xa2: {  	_ =	swait.ge [sflag:s23], $0x1  }
0xa3: {  	[sflag:s23] =	ssyncset.done $0x0  }
0xa4: {  	s25 =	simm.s32 $0x1B8E;
	s24 =	sld [smem:$0x3FFE];
	[sflag:s23] =	ssyncadd.s32 $0xFFFFFFFF  }
0xa5: {  	s26 =	simm.s32 $execute0_lowered;
	[smem:$0x3FD2] =	sst s25  }
0xa6: {  	s5 =	sshll.u32 s26, $0x1;
	_ =	strace $0x80000046;
	[dreg:$0x1] =	wrdreg $0xFFFFFFFF  }
0xa7: {  	s28 =	simm.s32 $_size_execute0_lowered;
	s3 =	sadd.s32 s3, s5;
	[dreg:$0x0] =	wrdreg $0x0  }
0xa8: {  	s5 =	sshll.u32 s28, $0x1;
	[dreg:$0x2] =	wrdreg s3  }
0xa9: {  	[dreg:$0x3] =	wrdreg s5  }
0xaa: {  	[dreg:$0x4] =	wrdreg $0xC0  }
0xab: {  	_ =	task [dreg:s7], $0x5FFFF  }
0xac: {  	[dreg:$0x1] =	wrdreg $0xFFFFFFFF  }
0xad: {  	[dreg:$0x0] =	wrdreg $0x60  }
0xae: {  	[dreg:$0x2] =	wrdreg s2  }
0xaf: {  	[dreg:$0x3] =	wrdreg s24  }
0xb0: {  	[dreg:$0x4] =	wrdreg $0x9  }
0xb1: {  	_ =	task.clear_ibuf [dreg:s7], $0x5FFFF;
	_ =	strace $0x90000046  }
0xb2: {  	s29 =	simm.s32 $0x9;
	_ =	strace $0x80000048  }
0xb3: {  	_ =	swait.ge [sflag:s29], $0x1  }
0xb4: {  	[sflag:s29] =	ssyncadd.s32 $0xFFFFFFFF  }
0xb5: {  	_ =	strace $0x90000048  }
0xb6: {  	_ =	sfence  }
0xb7: {  	s30 =	sld [smem:$0x0];
	_ =	sdelay $0x2  }
0xb8: {  	s31 =	sshll.u32 s1, $0xD;
	s1 =	sshrl.u32 s1, $0x2  }
0xb9: {  	s3 =	sand.u32 $0x4000, s31;
	s1 =	sadd.s32 s1, s30  }
0xba: {  	s0 =	sor.u32 s3, s0;
	s1 =	sshll.u32 s1, $0x11  }
0xbb: {  	s0 =	sor.u32 s1, s0  }
0xbc: {  	s0 =	sadd.s32 $0x8F2B, s0  }
0xbd: {  	[sflag:s0] =	ssyncadd.remote.s32 $0x1  }
0xbe: {  	_ =	sfence.sel $0xFFFF  }
0xbf: {  	[dreg:$0x0] =	wrdreg $0xFFFFFFFF;
	(pc) =	sbr.abs _section_cstart, $3  }
0xc0: {  	[dreg:$0x1] =	wrdreg $0xFFFFFFFF  }
0xc1: {  	_ =	task.clear_ibuf [dreg:s7], $0x2FFFF;
	_ =	strace $0x9FFFFFFF  }
0xc2: {  	(tm) =	ssettm $0x7FFFFFFF  }
0xc3: {  	_ =	shalt  }
tec
execute0_lowered:
.L_overlay_start_1:
0x0: {  	(tag) =	ssettag $0x1  }
0x1: {  	s3 =	rddreg [dreg:$0x0]  }
0x2: {  	s13 =	rddreg [dreg:$0x1];
	s2 =	srdreg.scid  }
0x3: {  	s0 =	rddreg [dreg:$0x2];
	s1 =	stileid.u32;
	s28 =	sand.u32 $0x1, s2  }
0x4: {  	s2 =	simm.s32 $0x0;
	s4 =	sshll.u32 s1, $0x7;
	s5 =	sshll.u32 s28, $0x6  }
0x5: {  	[smem:$0x7FF] =	sst s2;
	s5 =	sor.u32 s5, s4  }
0x6: {  	_ =	strace $0x80000047;
	s4 =	simm.s32 $0x3;
	s3 =	sadd.s32 s3, s5  }
0x7: {  	[tilespmem:s2], [sflag:$0x3] =	stream.linear.gather [hbm4b:s3+s2], $0x200, $0x38;
	[tilespmem:$0x8400] =	vst v63  }
0x8: {  	_ =	swait.ge [sflag:s4], $0x200  }
0x9: {  	s5 =	sadd.s32 s5, s13;
	[sflag:s4] =	ssyncset.done $0x0  }
0xa: {  	s6 =	simm.s32 $0x200;
	s5 =	sadd.s32 $0x1000, s5;
	[sflag:s4] =	ssyncadd.s32 $0xFFFFFE00  }
0xb: {  	[tilespmem:s6], [sflag:$0x3] =	stream.linear.gather [hbm4b:s5+s2], $0x200, $0x38;
	[tilespmem:$0x8400] =	vst v63  }
0xc: {  	_ =	swait.ge [sflag:s4], $0x200  }
0xd: {  	s8 =	simm.s32 $0x80;
	[sflag:s4] =	ssyncset.done $0x0  }
0xe: {  	s9 =	simm.s32 $0x400;
	s7 =	sadd.s32 $0x1800, s13;
	[sflag:s4] =	ssyncadd.s32 $0xFFFFFE00  }
0xf: {  	[tilespmem:s9], [sflag:$0x1] =	stream.indirect.gather [hbm4b:s7+s8], $0x80, s2, s8, $0xb8;
	[tilespmem:$0x8400] =	vst v63  }
0x10: {  	s11 =	simm.s32 $0x4400;
	s12 =	simm.s32 $0x1;
	s10 =	sadd.s32 $0x1ED800, s13  }
0x11: {  	[tilespmem:s11], [sflag:$0x1] =	stream.indirect.gather [hbm4b:s10+s8], $0x80, s6, s8, $0xb8;
	[tilespmem:$0x8400] =	vst v63  }
0x12: {  	_ =	swait.ge [sflag:s12], $0x4000  }
0x13: {  	[sflag:s12] =	ssyncset.done $0x0  }
0x14: {  	[sflag:s12] =	ssyncadd.s32 $0xFFFFC000  }
0x15: {  	s14 =	sshll.u32 s1, $0xE;
	s15 =	sshll.u32 s28, $0xD;
	_ =	swait.ge [sflag:s12], $0x4000  }
0x16: {  	s25 =	sadd.s32 $0x221800, s13;
	s29 =	sor.u32 s15, s14;
	[sflag:s12] =	ssyncset.done $0x0  }
0x17: {  	s26 =	sadd.s32 $0x261800, s13;
	s13 =	sadd.s32 s25, s29;
	[sflag:s12] =	ssyncadd.s32 $0xFFFFC000  }
0x18: {  	[hbm4b:s13+s2] =	stream.linear.scatter [tilespmem:s9], [sflag:$0x2], $0x4000, $0x38;
	[tilespmem:$0x8400] =	vst v63  }
0x19: {  	s14 =	simm.s32 $0x2;
	s15 =	sadd.s32 s26, s29  }
0x1a: {  	[hbm4b:s15+s2] =	stream.linear.scatter [tilespmem:s11], [sflag:$0x2], $0x4000, $0x38;
	[tilespmem:$0x8400] =	vst v63  }
0x1b: {  	_ =	swait.ge [sflag:s14], $0x4000  }
0x1c: {  	[sflag:s14] =	ssyncset.done $0x0  }
0x1d: {  	[sflag:s14] =	ssyncadd.s32 $0xFFFFC000  }
0x1e: {  	_ =	swait.ge [sflag:s14], $0x4000  }
0x1f: {  	[sflag:s14] =	ssyncset.done $0x0  }
0x20: {  	[sflag:s14] =	ssyncadd.s32 $0xFFFFC000  }
0x21: {  	[tilespmem:s9], [sflag:$0x1] =	stream.indirect.gather [hbm4b:s7+s8], $0x80, s8, s8, $0xb8;
	[tilespmem:$0x8400] =	vst v63  }
0x22: {  	s16 =	simm.s32 $0x280  }
0x23: {  	[tilespmem:s11], [sflag:$0x1] =	stream.indirect.gather [hbm4b:s10+s8], $0x80, s16, s8, $0xb8;
	[tilespmem:$0x8400] =	vst v63  }
0x24: {  	_ =	swait.ge [sflag:s12], $0x4000  }
0x25: {  	[sflag:s12] =	ssyncset.done $0x0  }
0x26: {  	[sflag:s12] =	ssyncadd.s32 $0xFFFFC000  }
0x27: {  	_ =	swait.ge [sflag:s12], $0x4000  }
0x28: {  	s18 =	sor.u32 $0x800, s29;
	[sflag:s12] =	ssyncset.done $0x0  }
0x29: {  	s17 =	sadd.s32 s25, s18;
	[sflag:s12] =	ssyncadd.s32 $0xFFFFC000  }
0x2a: {  	[hbm4b:s17+s2] =	stream.linear.scatter [tilespmem:s9], [sflag:$0x2], $0x4000, $0x38;
	[tilespmem:$0x8400] =	vst v63  }
0x2b: {  	s18 =	sadd.s32 s26, s18  }
0x2c: {  	[hbm4b:s18+s2] =	stream.linear.scatter [tilespmem:s11], [sflag:$0x2], $0x4000, $0x38;
	[tilespmem:$0x8400] =	vst v63  }
0x2d: {  	_ =	swait.ge [sflag:s14], $0x4000  }
0x2e: {  	[sflag:s14] =	ssyncset.done $0x0  }
0x2f: {  	[sflag:s14] =	ssyncadd.s32 $0xFFFFC000  }
0x30: {  	_ =	swait.ge [sflag:s14], $0x4000  }
0x31: {  	[sflag:s14] =	ssyncset.done $0x0  }
0x32: {  	s19 =	simm.s32 $0x100;
	[sflag:s14] =	ssyncadd.s32 $0xFFFFC000  }
0x33: {  	[tilespmem:s9], [sflag:$0x1] =	stream.indirect.gather [hbm4b:s7+s8], $0x80, s19, s8, $0xb8;
	[tilespmem:$0x8400] =	vst v63  }
0x34: {  	s20 =	simm.s32 $0x300  }
0x35: {  	[tilespmem:s11], [sflag:$0x1] =	stream.indirect.gather [hbm4b:s10+s8], $0x80, s20, s8, $0xb8;
	[tilespmem:$0x8400] =	vst v63  }
0x36: {  	_ =	swait.ge [sflag:s12], $0x4000  }
0x37: {  	[sflag:s12] =	ssyncset.done $0x0  }
0x38: {  	[sflag:s12] =	ssyncadd.s32 $0xFFFFC000  }
0x39: {  	_ =	swait.ge [sflag:s12], $0x4000  }
0x3a: {  	s22 =	sor.u32 $0x1000, s29;
	[sflag:s12] =	ssyncset.done $0x0  }
0x3b: {  	s21 =	sadd.s32 s25, s22;
	[sflag:s12] =	ssyncadd.s32 $0xFFFFC000  }
0x3c: {  	[hbm4b:s21+s2] =	stream.linear.scatter [tilespmem:s9], [sflag:$0x2], $0x4000, $0x38;
	[tilespmem:$0x8400] =	vst v63  }
0x3d: {  	s22 =	sadd.s32 s26, s22  }
0x3e: {  	[hbm4b:s22+s2] =	stream.linear.scatter [tilespmem:s11], [sflag:$0x2], $0x4000, $0x38;
	[tilespmem:$0x8400] =	vst v63  }
0x3f: {  	_ =	swait.ge [sflag:s14], $0x4000  }
0x40: {  	[sflag:s14] =	ssyncset.done $0x0  }
0x41: {  	[sflag:s14] =	ssyncadd.s32 $0xFFFFC000  }
0x42: {  	_ =	swait.ge [sflag:s14], $0x4000  }
0x43: {  	[sflag:s14] =	ssyncset.done $0x0  }
0x44: {  	s23 =	simm.s32 $0x180;
	[sflag:s14] =	ssyncadd.s32 $0xFFFFC000  }
0x45: {  	[tilespmem:s9], [sflag:$0x1] =	stream.indirect.gather [hbm4b:s7+s8], $0x80, s23, s8, $0xb8;
	[tilespmem:$0x8400] =	vst v63  }
0x46: {  	s24 =	simm.s32 $0x380  }
0x47: {  	[tilespmem:s11], [sflag:$0x1] =	stream.indirect.gather [hbm4b:s10+s8], $0x80, s24, s8, $0xb8;
	[tilespmem:$0x8400] =	vst v63  }
0x48: {  	_ =	swait.ge [sflag:s12], $0x4000  }
0x49: {  	[sflag:s12] =	ssyncset.done $0x0  }
0x4a: {  	s28 =	ssub.s32 $0x2, s28;
	[sflag:s12] =	ssyncadd.s32 $0xFFFFC000  }
0x4b: {  	s31 =	sshrl.u32 s28, $0x1;
	_ =	swait.ge [sflag:s12], $0x4000  }
0x4c: {  	s29 =	sor.u32 $0x1800, s29;
	s28 =	ssub.s32 s28, s31;
	[sflag:s12] =	ssyncset.done $0x0  }
0x4d: {  	s25 =	sadd.s32 s25, s29;
	s28 =	smax.u32 s28, $0x1;
	[sflag:s12] =	ssyncadd.s32 $0xFFFFC000  }
0x4e: {  	[hbm4b:s25+s2] =	stream.linear.scatter [tilespmem:s9], [sflag:$0x2], $0x4000, $0x38;
	[tilespmem:$0x8400] =	vst v63  }
0x4f: {  	s26 =	sadd.s32 s26, s29;
	p0 =	sne.s32 s28, $0x1  }
0x50: {  	[hbm4b:s26+s2] =	stream.linear.scatter [tilespmem:s11], [sflag:$0x2], $0x4000, $0x38;
	[tilespmem:$0x8400] =	vst v63  }
.Ltmp0:
0x51: {  	_ =	swait.ge [sflag:s14], $0x4000;
	(pc) =	sbr.rel @!p0 .LBB2_2-.Ltmp0, $4  }
0x52: {  	[sflag:s14] =	ssyncset.done $0x0  }
0x53: {  	[sflag:s14] =	ssyncadd.s32 $0xFFFFC000  }
0x54: {  	_ =	swait.ge [sflag:s14], $0x4000  }
0x55: {  	s28 =	sadd.s32 $0xFFFFFFFF, s28;
	[sflag:s14] =	ssyncset.done $0x0  }
.LBB2_1:
0x56: {  	p0 =	sne.s32 s28, $0x1;
	s28 =	sadd.s32 $0xFFFFFFFF, s28;
	[sflag:s14] =	ssyncadd.s32 $0xFFFFC000  }
0x57: {  	[tilespmem:s2], [sflag:$0x3] =	stream.linear.gather [hbm4b:s3+s2], $0x200, $0x38;
	[tilespmem:$0x8400] =	vst v63  }
0x58: {  	_ =	swait.ge [sflag:s4], $0x200  }
0x59: {  	[sflag:s4] =	ssyncset.done $0x0  }
0x5a: {  	[sflag:s4] =	ssyncadd.s32 $0xFFFFFE00  }
0x5b: {  	[tilespmem:s6], [sflag:$0x3] =	stream.linear.gather [hbm4b:s5+s2], $0x200, $0x38;
	[tilespmem:$0x8400] =	vst v63  }
0x5c: {  	_ =	swait.ge [sflag:s4], $0x200  }
0x5d: {  	[sflag:s4] =	ssyncset.done $0x0  }
0x5e: {  	[sflag:s4] =	ssyncadd.s32 $0xFFFFFE00  }
0x5f: {  	[tilespmem:s9], [sflag:$0x1] =	stream.indirect.gather [hbm4b:s7+s8], $0x80, s2, s8, $0xb8;
	[tilespmem:$0x8400] =	vst v63  }
0x60: {  	_ = 	snop  }
0x61: {  	[tilespmem:s11], [sflag:$0x1] =	stream.indirect.gather [hbm4b:s10+s8], $0x80, s6, s8, $0xb8;
	[tilespmem:$0x8400] =	vst v63  }
0x62: {  	_ =	swait.ge [sflag:s12], $0x4000  }
0x63: {  	[sflag:s12] =	ssyncset.done $0x0  }
0x64: {  	[sflag:s12] =	ssyncadd.s32 $0xFFFFC000  }
0x65: {  	_ =	swait.ge [sflag:s12], $0x4000  }
0x66: {  	[sflag:s12] =	ssyncset.done $0x0  }
0x67: {  	[sflag:s12] =	ssyncadd.s32 $0xFFFFC000  }
0x68: {  	[hbm4b:s13+s2] =	stream.linear.scatter [tilespmem:s9], [sflag:$0x2], $0x4000, $0x38;
	[tilespmem:$0x8400] =	vst v63  }
0x69: {  	_ = 	snop  }
0x6a: {  	[hbm4b:s15+s2] =	stream.linear.scatter [tilespmem:s11], [sflag:$0x2], $0x4000, $0x38;
	[tilespmem:$0x8400] =	vst v63  }
0x6b: {  	_ =	swait.ge [sflag:s14], $0x4000  }
0x6c: {  	[sflag:s14] =	ssyncset.done $0x0  }
0x6d: {  	[sflag:s14] =	ssyncadd.s32 $0xFFFFC000  }
0x6e: {  	_ =	swait.ge [sflag:s14], $0x4000  }
0x6f: {  	[sflag:s14] =	ssyncset.done $0x0  }
0x70: {  	[sflag:s14] =	ssyncadd.s32 $0xFFFFC000  }
0x71: {  	[tilespmem:s9], [sflag:$0x1] =	stream.indirect.gather [hbm4b:s7+s8], $0x80, s8, s8, $0xb8;
	[tilespmem:$0x8400] =	vst v63  }
0x72: {  	_ = 	snop  }
0x73: {  	[tilespmem:s11], [sflag:$0x1] =	stream.indirect.gather [hbm4b:s10+s8], $0x80, s16, s8, $0xb8;
	[tilespmem:$0x8400] =	vst v63  }
0x74: {  	_ =	swait.ge [sflag:s12], $0x4000  }
0x75: {  	[sflag:s12] =	ssyncset.done $0x0  }
0x76: {  	[sflag:s12] =	ssyncadd.s32 $0xFFFFC000  }
0x77: {  	_ =	swait.ge [sflag:s12], $0x4000  }
0x78: {  	[sflag:s12] =	ssyncset.done $0x0  }
0x79: {  	[sflag:s12] =	ssyncadd.s32 $0xFFFFC000  }
0x7a: {  	[hbm4b:s17+s2] =	stream.linear.scatter [tilespmem:s9], [sflag:$0x2], $0x4000, $0x38;
	[tilespmem:$0x8400] =	vst v63  }
0x7b: {  	_ = 	snop  }
0x7c: {  	[hbm4b:s18+s2] =	stream.linear.scatter [tilespmem:s11], [sflag:$0x2], $0x4000, $0x38;
	[tilespmem:$0x8400] =	vst v63  }
0x7d: {  	_ =	swait.ge [sflag:s14], $0x4000  }
0x7e: {  	[sflag:s14] =	ssyncset.done $0x0  }
0x7f: {  	[sflag:s14] =	ssyncadd.s32 $0xFFFFC000  }
0x80: {  	_ =	swait.ge [sflag:s14], $0x4000  }
0x81: {  	[sflag:s14] =	ssyncset.done $0x0  }
0x82: {  	[sflag:s14] =	ssyncadd.s32 $0xFFFFC000  }
0x83: {  	[tilespmem:s9], [sflag:$0x1] =	stream.indirect.gather [hbm4b:s7+s8], $0x80, s19, s8, $0xb8;
	[tilespmem:$0x8400] =	vst v63  }
0x84: {  	_ = 	snop  }
0x85: {  	[tilespmem:s11], [sflag:$0x1] =	stream.indirect.gather [hbm4b:s10+s8], $0x80, s20, s8, $0xb8;
	[tilespmem:$0x8400] =	vst v63  }
0x86: {  	_ =	swait.ge [sflag:s12], $0x4000  }
0x87: {  	[sflag:s12] =	ssyncset.done $0x0  }
0x88: {  	[sflag:s12] =	ssyncadd.s32 $0xFFFFC000  }
0x89: {  	_ =	swait.ge [sflag:s12], $0x4000  }
0x8a: {  	[sflag:s12] =	ssyncset.done $0x0  }
0x8b: {  	[sflag:s12] =	ssyncadd.s32 $0xFFFFC000  }
0x8c: {  	[hbm4b:s21+s2] =	stream.linear.scatter [tilespmem:s9], [sflag:$0x2], $0x4000, $0x38;
	[tilespmem:$0x8400] =	vst v63  }
0x8d: {  	_ = 	snop  }
0x8e: {  	[hbm4b:s22+s2] =	stream.linear.scatter [tilespmem:s11], [sflag:$0x2], $0x4000, $0x38;
	[tilespmem:$0x8400] =	vst v63  }
0x8f: {  	_ =	swait.ge [sflag:s14], $0x4000  }
0x90: {  	[sflag:s14] =	ssyncset.done $0x0  }
0x91: {  	[sflag:s14] =	ssyncadd.s32 $0xFFFFC000  }
0x92: {  	_ =	swait.ge [sflag:s14], $0x4000  }
0x93: {  	[sflag:s14] =	ssyncset.done $0x0  }
0x94: {  	[sflag:s14] =	ssyncadd.s32 $0xFFFFC000  }
0x95: {  	[tilespmem:s9], [sflag:$0x1] =	stream.indirect.gather [hbm4b:s7+s8], $0x80, s23, s8, $0xb8;
	[tilespmem:$0x8400] =	vst v63  }
0x96: {  	_ = 	snop  }
0x97: {  	[tilespmem:s11], [sflag:$0x1] =	stream.indirect.gather [hbm4b:s10+s8], $0x80, s24, s8, $0xb8;
	[tilespmem:$0x8400] =	vst v63  }
0x98: {  	_ =	swait.ge [sflag:s12], $0x4000  }
0x99: {  	[sflag:s12] =	ssyncset.done $0x0  }
0x9a: {  	[sflag:s12] =	ssyncadd.s32 $0xFFFFC000  }
0x9b: {  	_ =	swait.ge [sflag:s12], $0x4000  }
0x9c: {  	[sflag:s12] =	ssyncset.done $0x0  }
0x9d: {  	[sflag:s12] =	ssyncadd.s32 $0xFFFFC000  }
0x9e: {  	[hbm4b:s25+s2] =	stream.linear.scatter [tilespmem:s9], [sflag:$0x2], $0x4000, $0x38;
	[tilespmem:$0x8400] =	vst v63  }
0x9f: {  	_ = 	snop  }
0xa0: {  	[hbm4b:s26+s2] =	stream.linear.scatter [tilespmem:s11], [sflag:$0x2], $0x4000, $0x38;
	[tilespmem:$0x8400] =	vst v63  }
.Ltmp1:
0xa1: {  	_ =	swait.ge [sflag:s14], $0x4000;
	(pc) =	sbr.rel @p0 .LBB2_1-.Ltmp1, $4  }
0xa2: {  	[sflag:s14] =	ssyncset.done $0x0  }
0xa3: {  	[sflag:s14] =	ssyncadd.s32 $0xFFFFC000  }
0xa4: {  	_ =	swait.ge [sflag:s14], $0x4000  }
0xa5: {  	[sflag:s14] =	ssyncset.done $0x0  }
.LBB2_2:
0xa6: {  	[sflag:s14] =	ssyncadd.s32 $0xFFFFC000  }
0xa7: {  	_ =	sfence.sel $0x180000  }
0xa8: {  	[bflag:$0x0] =	sbarrier.arrive $0xFFFF  }
0xa9: {  	p0 =	sne.s32 s1, $0x0;
	_ =	strace $0x90000047  }
0xaa: {  	s0 =	sadd.s32 @!p0 $0x100000, s0;
	[bflag:$0x2] =	sbarrier.arrive $0xFFFF  }
0xab: {  	[sflag:s0] =	ssyncadd.tile.s32 @!p0 $0x1;
	_ =	shalt  }
.Lfunc_end2:
_tile_overlayer_lowered:
.L_overlay_start_2:
0xac: {  	(tag) =	ssettag $0x2  }
0xad: {  	s0 =	rddreg [dreg:$0x0];
	s2 =	stileid.u32  }
0xae: {  	s1 =	rddreg [dreg:$0x1];
	p0 =	sne.s32 s2, $0x0  }
0xaf: {  	s3 =	rddreg [dreg:$0x2];
	[bflag:$0x3] =	sbarrier.arrive $0xFFFF;
	s2 =	simm.s32 @!p0 $0x1C03  }
0xb0: {  	[timem:s3], [sflag:s2] =	dma.local @!p0 [hbm:s0], s1  }
0xb1: {  	s0 =	simm.s32 @!p0 $0x3  }
0xb2: {  	_ =	swait.ge @!p0 [sflag:s0], s1  }
0xb3: {  	s1 =	ssub.s32 @!p0 $0x0, s1;
	[sflag:s0] =	ssyncset.done @!p0 $0x0  }
0xb4: {  	[sflag:s0] =	ssyncadd.s32 @!p0 s1  }
0xb5: {  	[bflag:$0x3] =	sbarrier.arrive $0xFFFF  }
0xb6: {  	_ =	shalt  }

</sc_bundles>
